<compile_context>
chip_gen: v7x
topology: tpu7x:2x2x1
jax: 0.10.2.dev20260603
libtpu: 0.0.44.dev20260713+nightly
codegen_flags: <defaults>
</compile_context>

<pallas_src>
import functools

import jax
import jax.numpy as jnp
from jax import lax
from jax.experimental import pallas as pl
from jax.experimental.pallas import tpu as pltpu
from jax.experimental.pallas import tpu_sc as plsc

B = 1024
M = 100000
D = 128
K = 15
KP = 16
W = 2048
T = 49
MP = W * T
SG = 128
NSG = MP // SG
CW = KP * SG
MIN_SIM = 0.1
MIN_MATCHES = 2
NEG = -3.0
BIGI = 1 << 30


BB = 256
BBA = 1024


def _matmul_body(q_ref, e_ref, sims_ref, gm_ref):
    t = pl.program_id(0)
    s = lax.dot_general(q_ref[...], e_ref[...], (((1,), (1,)), ((), ())),
                        precision=lax.Precision.DEFAULT,
                        preferred_element_type=jnp.float32)

    def emit(sv):
        sims_ref[...] = sv
        gm_ref[...] = jnp.max(sv.reshape(BBA, W // SG, SG),
                              axis=2).reshape(1, BBA, W // SG)

    @pl.when(t < T - 1)
    def _():
        emit(s)

    @pl.when(t == T - 1)
    def _():
        col = lax.broadcasted_iota(jnp.int32, s.shape, 1) + t * W
        emit(jnp.where(col >= M, NEG, s))


def _group_topk_body(gm_ref, gsel_ref, flat_ref):
    v = gm_ref[...]
    gi = lax.broadcasted_iota(jnp.int32, v.shape, 1)
    cols = []
    for _ in range(KP):
        m = jnp.max(v, axis=1, keepdims=True)
        g = jnp.min(jnp.where(v == m, gi, BIGI), axis=1, keepdims=True)
        cols.append(g)
        v = jnp.where(gi == g, -jnp.inf, v)
    gsel = jnp.concatenate(cols, axis=1)
    gsel_ref[...] = gsel
    row = lax.broadcasted_iota(jnp.int32, (BB, KP), 0) + pl.program_id(0) * BB
    flat_ref[...] = row * NSG + gsel


def _final_topk_body(c_ref, gsel_ref, ts_ref, ti_ref, tig_ref, nk_ref, st_ref):
    c = c_ref[...]
    g = gsel_ref[...]
    p = lax.broadcasted_iota(jnp.int32, c.shape, 1)
    j_all = p >> 7
    off = p & (SG - 1)
    g_all = jnp.zeros(c.shape, jnp.int32)
    for j in range(KP):
        g_all = g_all + jnp.where(j_all == j, g[:, j:j + 1], 0)
    col_all = g_all * SG + off
    vals = c
    ts_cols, ti_cols = [], []
    for _ in range(KP):
        m = jnp.max(vals, axis=1, keepdims=True)
        cc = jnp.min(jnp.where(vals == m, col_all, BIGI), axis=1, keepdims=True)
        ts_cols.append(m)
        ti_cols.append(cc)
        vals = jnp.where(col_all == cc, -jnp.inf, vals)
    ts = jnp.concatenate(ts_cols, axis=1)
    ti = jnp.concatenate(ti_cols, axis=1)
    lane = lax.broadcasted_iota(jnp.int32, (BB, KP), 1)
    validk = jnp.logical_and(ts >= MIN_SIM, lane < K)
    counts = jnp.sum(validk.astype(jnp.int32), axis=1, keepdims=True)
    use = counts >= MIN_MATCHES
    keep = jnp.logical_and(validk, use)
    ts_ref[...] = ts
    ti_ref[...] = ti
    tig_ref[...] = jnp.where(keep, ti, M)
    nk_ref[...] = 1 - keep.astype(jnp.int32)
    s0 = jnp.sum(ts[:, 0:1]) / B
    s1 = jnp.sum(jnp.where(lane < K, ts, 0.0)) / (B * K)
    s2 = jnp.sum(use.astype(jnp.float32)) / B
    li = lax.broadcasted_iota(jnp.int32, (8, 128), 1)
    part = jnp.where(li == 0, s0, jnp.where(li == 1, s1,
                     jnp.where(li == 2, s2, 0.0)))

    @pl.when(pl.program_id(0) == 0)
    def _():
        st_ref[...] = jnp.zeros((8, 128), jnp.float32)

    st_ref[...] += part


def _sc_gather(table, idx, row_w):
    info = plsc.get_sparse_core_info()
    nc, ns = info.num_cores, info.num_subcores
    nw = nc * ns
    n = idx.shape[0]
    npw = n // nw
    nch = npw // 128
    mesh = plsc.VectorSubcoreMesh(core_axis_name="c", subcore_axis_name="s")

    @functools.partial(
        pl.kernel, mesh=mesh,
        out_type=jax.ShapeDtypeStruct((n, row_w), jnp.float32),
        scratch_types=[
            pltpu.VMEM((nch, 128), jnp.int32),
            pltpu.VMEM((npw, row_w), jnp.float32),
            pltpu.SemaphoreType.DMA,
        ],
    )
    def gather_k(table_hbm, idx_hbm, out_hbm, idx_v, rows_v, sem):
        wid = lax.axis_index("s") * nc + lax.axis_index("c")
        pltpu.sync_copy(idx_hbm.at[pl.ds(wid * nch, nch)], idx_v)
        for c in range(nch):
            pltpu.async_copy(table_hbm.at[idx_v.at[c]],
                             rows_v.at[pl.ds(c * 128, 128)], sem).wait()
        pltpu.sync_copy(rows_v, out_hbm.at[pl.ds(wid * npw, npw)])

    return gather_k(table, idx.reshape(n // 128, 128))


def kernel(query_embeddings, memory_embeddings, top_k):
    f32 = jnp.float32
    q = query_embeddings.astype(f32)
    e = memory_embeddings.astype(f32)
    qn = q / jnp.maximum(jnp.linalg.norm(q, axis=1, keepdims=True), 1e-12)
    en = e / jnp.maximum(jnp.linalg.norm(e, axis=1, keepdims=True), 1e-12)
    ep = jnp.concatenate([en, jnp.zeros((MP - M, D), f32)], axis=0)

    sims, gm = pl.pallas_call(
        _matmul_body,
        grid=(T, B // BBA),
        in_specs=[
            pl.BlockSpec((BBA, D), lambda t, b: (b, 0)),
            pl.BlockSpec((W, D), lambda t, b: (t, 0)),
        ],
        out_specs=[
            pl.BlockSpec((BBA, W), lambda t, b: (b, t)),
            pl.BlockSpec((1, BBA, W // SG), lambda t, b: (t, b, 0)),
        ],
        out_shape=[
            jax.ShapeDtypeStruct((B, MP), f32),
            jax.ShapeDtypeStruct((T, B, W // SG), f32),
        ],
    )(qn, ep)

    gmr = jnp.transpose(gm, (1, 0, 2)).reshape(B, NSG)

    gsel, flat = pl.pallas_call(
        _group_topk_body,
        grid=(B // BB,),
        in_specs=[pl.BlockSpec((BB, NSG), lambda b: (b, 0))],
        out_specs=[
            pl.BlockSpec((BB, KP), lambda b: (b, 0)),
            pl.BlockSpec((BB, KP), lambda b: (b, 0)),
        ],
        out_shape=[
            jax.ShapeDtypeStruct((B, KP), jnp.int32),
            jax.ShapeDtypeStruct((B, KP), jnp.int32),
        ],
    )(gmr)

    cand = _sc_gather(sims.reshape(B * NSG, SG), flat.reshape(-1), SG)

    ts, ti, tig, nk, st = pl.pallas_call(
        _final_topk_body,
        grid=(B // BB,),
        in_specs=[
            pl.BlockSpec((BB, CW), lambda b: (b, 0)),
            pl.BlockSpec((BB, KP), lambda b: (b, 0)),
        ],
        out_specs=[
            pl.BlockSpec((BB, KP), lambda b: (b, 0)),
            pl.BlockSpec((BB, KP), lambda b: (b, 0)),
            pl.BlockSpec((BB, KP), lambda b: (b, 0)),
            pl.BlockSpec((BB, KP), lambda b: (b, 0)),
            pl.BlockSpec((8, 128), lambda b: (0, 0)),
        ],
        out_shape=[
            jax.ShapeDtypeStruct((B, KP), f32),
            jax.ShapeDtypeStruct((B, KP), jnp.int32),
            jax.ShapeDtypeStruct((B, KP), jnp.int32),
            jax.ShapeDtypeStruct((B, KP), jnp.int32),
            jax.ShapeDtypeStruct((8, 128), f32),
        ],
    )(cand.reshape(B, CW), gsel)

    rows = _sc_gather(ep, tig.reshape(-1), D)

    out_embs = rows.reshape(B, KP, D)[:, :K, :]
    out_mask = nk[:, :K].astype(bool)
    top_sims = ts[:, :K]
    top_idx = ti[:, :K]
    max_sim = st[0, 0]
    mean_topk = st[0, 1]
    used_ratio = st[0, 2]
    return out_embs, out_mask, top_sims, top_idx, max_sim, mean_topk, used_ratio

# --- scband reference (transcript-rebuilt; emitter-appended) ---
"""Pipeline reference for scband-sentence-transformer-3255585211075 (READ-ONLY COPY).

The authoritative reference and input builder live on the scoring server;
editing this copy changes nothing except your own understanding.
"""

import jax, jax.numpy as jnp
import numpy as np

B = 1024
M = 100000
D = 128
TOP_K = 15
MIN_SIM = 0.1
MIN_MATCHES = 2


def setup_inputs(seed: int = 0) -> dict:
    key = jax.random.key(seed)
    k1, k2 = jax.random.split(key)
    query_embeddings = jax.random.normal(k1, (B, D), dtype=jnp.float32)
    # Memory embeddings: the LongTermMemoryGPU state built via add_or_update_batch
    # (stored L2-normalized; we store raw and normalize in reference, matching F.normalize)
    memory_embeddings = jax.random.normal(k2, (M, D), dtype=jnp.float32)
    return {"query_embeddings": query_embeddings, "memory_embeddings": memory_embeddings, "top_k": TOP_K}


def _l2_normalize(x, axis=1, eps=1e-12):
    # matches torch.nn.functional.normalize(p=2): x / max(||x||, eps)
    n = jnp.linalg.norm(x, axis=axis, keepdims=True)
    return x / jnp.maximum(n, eps)


def reference(query_embeddings, memory_embeddings, top_k):
    # Faithful numeric core of LongTermMemoryGPU.retrieve_gpu
    Q = _l2_normalize(query_embeddings, axis=1)
    E = _l2_normalize(memory_embeddings, axis=1)  # memory stored normalized on insert
    sims = Q @ E.T  # [B, M]
    k_actual = min(TOP_K, E.shape[0])
    top_sims, top_idx = jax.lax.top_k(sims, k_actual)  # [B, K]
    top_idx = top_idx + (top_k - top_k)
    valid_mask = top_sims >= MIN_SIM  # [B, K]
    valid_counts = valid_mask.sum(axis=1)  # [B]
    use_ltm = valid_counts >= MIN_MATCHES  # [B]
    # Gather retrieved embeddings; rows/slots that are invalid or unused are zero-padded,
    # out_mask is True where padded/invalid (same semantics as original, fixed-width K).
    gathered = jnp.take(E, top_idx, axis=0)  # [B, K, D]
    keep = valid_mask & use_ltm[:, None]  # [B, K]
    out_embs = gathered * keep[:, :, None].astype(gathered.dtype)
    out_mask = jnp.logical_not(keep)
    # summary stats (scalar reductions, analogous to stats dict)
    max_sim = top_sims[:, 0].mean()
    mean_topk = top_sims.mean()
    used_ratio = use_ltm.astype(jnp.float32).mean()
    return out_embs, out_mask, top_sims, top_idx, max_sim, mean_topk, used_ratio

if __name__ == "__main__":
    import jax
    _d = setup_inputs()
    print(jax.jit(kernel)(*tuple(_d.values())))

</pallas_src>

<mosaic_0001>
#map = affine_map<(d0, d1) -> (0, 0)>
module attributes {stable_mosaic.version = 14 : i64} {
  func.func @gather_k(%arg0: i32, %arg1: i32, %arg2: memref<100352x128xf32, #tpu.memory_space<hbm>>, %arg3: memref<128x128xi32, #tpu.memory_space<hbm>>, %arg4: memref<16384x128xf32, #tpu.memory_space<hbm>>, %arg5: memref<4x128xi32, #tpu.memory_space<vmem>>, %arg6: memref<512x128xf32, #tpu.memory_space<vmem>>, %arg7: memref<!tpu.dma_semaphore, #tpu.memory_space<semaphore_mem>>) attributes {dimension_semantics = [#tpu.dimension_semantics<core_parallel>, #tpu.dimension_semantics<subcore_parallel>], iteration_bounds = array<i64: 2, 16>, scalar_prefetch = 0 : i64, scratch_operands = 3 : i64, tpu.core_type = #tpu.core_type<sc_vector_subcore>, window_params = [{transform_indices = #map}, {transform_indices = #map}, {transform_indices = #map}]} {
    %mul3A = arith.constant 2 : i32
    %mul3A_0 = arith.muli %arg1, %mul3A : i32
    %add3A = arith.addi %mul3A_0, %arg0 : i32
    %mul3A_1 = arith.constant 4 : i32
    %mul3A_2 = arith.muli %add3A, %mul3A_1 : i32
    "tpu.region"() ({
      %run_scoped3A = tpu.sem_alloc : memref<!tpu.dma_semaphore, #tpu.memory_space<semaphore_mem>>
      %dma_start3A_83 = arith.constant 0 : i32
      %dma_start3A_84 = tpu.memref_slice %arg3[%mul3A_2, %dma_start3A_83] : memref<128x128xi32, #tpu.memory_space<hbm>> -> memref<4x128xi32, #tpu.memory_space<hbm>>
      %dma_start3A_85 = arith.constant 0 : i32
      %dma_start3A_86 = tpu.memref_slice %arg3[%mul3A_2, %dma_start3A_85] : memref<128x128xi32, #tpu.memory_space<hbm>> -> memref<4x128xi32, #tpu.memory_space<hbm>>
      tpu.enqueue_dma source(%dma_start3A_86 : memref<4x128xi32, #tpu.memory_space<hbm>>) target(%arg5 : memref<4x128xi32, #tpu.memory_space<vmem>>) target_semaphore(%run_scoped3A : memref<!tpu.dma_semaphore, #tpu.memory_space<semaphore_mem>>)
      %dma_wait3A_87 = arith.constant 0 : i32
      %dma_wait3A_88 = tpu.memref_slice %arg3[%mul3A_2, %dma_wait3A_87] : memref<128x128xi32, #tpu.memory_space<hbm>> -> memref<4x128xi32, #tpu.memory_space<hbm>>
      %dma_wait3A_89 = arith.constant 0 : i32
      %dma_wait3A_90 = tpu.memref_slice %arg3[%mul3A_2, %dma_wait3A_89] : memref<128x128xi32, #tpu.memory_space<hbm>> -> memref<4x128xi32, #tpu.memory_space<hbm>>
      tpu.wait_dma2 semaphore(%run_scoped3A : memref<!tpu.dma_semaphore, #tpu.memory_space<semaphore_mem>>) src(%dma_wait3A_90 : memref<4x128xi32, #tpu.memory_space<hbm>>) dst(%arg5 : memref<4x128xi32, #tpu.memory_space<vmem>>)
      tpu.yield
    }) : () -> ()
    %dma_start3A = arith.constant 0 : i32
    %dma_start3A_3 = arith.constant 0 : i32
    %dma_start3A_4 = arith.constant 0 : i32
    %dma_start3A_5 = tpu.memref_slice %arg6[%dma_start3A_3, %dma_start3A_4] : memref<512x128xf32, #tpu.memory_space<vmem>> -> memref<128x128xf32, #tpu.memory_space<vmem>>
    %dma_start3A_6 = arith.constant 0 : i32
    %dma_start3A_7 = tpu.memref_slice %arg5[%dma_start3A, %dma_start3A_6] : memref<4x128xi32, #tpu.memory_space<vmem>> -> memref<1x128xi32, #tpu.memory_space<vmem>>
    %dma_start3A_8 = tpu.memref_squeeze %dma_start3A_7 : memref<1x128xi32, #tpu.memory_space<vmem>> -> memref<128xi32, #tpu.memory_space<vmem>>
    %dma_start3A_9 = arith.constant 0 : i32
    %dma_start3A_10 = arith.constant 0 : i32
    %dma_start3A_11 = tpu.memref_slice %arg2[%dma_start3A_9, %dma_start3A_10] : memref<100352x128xf32, #tpu.memory_space<hbm>> -> memref<100352x128xf32, #tpu.memory_space<hbm>>
    tpu.enqueue_indirect_dma source(%dma_start3A_11 : memref<100352x128xf32, #tpu.memory_space<hbm>>) target(%dma_start3A_5 : memref<128x128xf32, #tpu.memory_space<vmem>>) offsets(%dma_start3A_8 : memref<128xi32, #tpu.memory_space<vmem>>) semaphore(%arg7 : memref<!tpu.dma_semaphore, #tpu.memory_space<semaphore_mem>>)
    %dma_wait3A = arith.constant 0 : i32
    %dma_wait3A_12 = arith.constant 0 : i32
    %dma_wait3A_13 = arith.constant 0 : i32
    %dma_wait3A_14 = tpu.memref_slice %arg6[%dma_wait3A_12, %dma_wait3A_13] : memref<512x128xf32, #tpu.memory_space<vmem>> -> memref<128x128xf32, #tpu.memory_space<vmem>>
    %dma_wait3A_15 = arith.constant 0 : i32
    %dma_wait3A_16 = tpu.memref_slice %arg5[%dma_wait3A, %dma_wait3A_15] : memref<4x128xi32, #tpu.memory_space<vmem>> -> memref<1x128xi32, #tpu.memory_space<vmem>>
    %dma_wait3A_17 = tpu.memref_squeeze %dma_wait3A_16 : memref<1x128xi32, #tpu.memory_space<vmem>> -> memref<128xi32, #tpu.memory_space<vmem>>
    %dma_wait3A_18 = arith.constant 0 : i32
    %dma_wait3A_19 = arith.constant 0 : i32
    %dma_wait3A_20 = tpu.memref_slice %arg2[%dma_wait3A_18, %dma_wait3A_19] : memref<100352x128xf32, #tpu.memory_space<hbm>> -> memref<100352x128xf32, #tpu.memory_space<hbm>>
    tpu.wait_indirect_dma semaphore(%arg7 : memref<!tpu.dma_semaphore, #tpu.memory_space<semaphore_mem>>) src(%dma_wait3A_20 : memref<100352x128xf32, #tpu.memory_space<hbm>>) dst(%dma_wait3A_14 : memref<128x128xf32, #tpu.memory_space<vmem>>)
    %dma_start3A_21 = arith.constant 1 : i32
    %dma_start3A_22 = arith.constant 128 : i32
    %dma_start3A_23 = arith.constant 0 : i32
    %dma_start3A_24 = tpu.memref_slice %arg6[%dma_start3A_22, %dma_start3A_23] : memref<512x128xf32, #tpu.memory_space<vmem>> -> memref<128x128xf32, #tpu.memory_space<vmem>>
    %dma_start3A_25 = arith.constant 0 : i32
    %dma_start3A_26 = tpu.memref_slice %arg5[%dma_start3A_21, %dma_start3A_25] : memref<4x128xi32, #tpu.memory_space<vmem>> -> memref<1x128xi32, #tpu.memory_space<vmem>>
    %dma_start3A_27 = tpu.memref_squeeze %dma_start3A_26 : memref<1x128xi32, #tpu.memory_space<vmem>> -> memref<128xi32, #tpu.memory_space<vmem>>
    %dma_start3A_28 = arith.constant 0 : i32
    %dma_start3A_29 = arith.constant 0 : i32
    %dma_start3A_30 = tpu.memref_slice %arg2[%dma_start3A_28, %dma_start3A_29] : memref<100352x128xf32, #tpu.memory_space<hbm>> -> memref<100352x128xf32, #tpu.memory_space<hbm>>
    tpu.enqueue_indirect_dma source(%dma_start3A_30 : memref<100352x128xf32, #tpu.memory_space<hbm>>) target(%dma_start3A_24 : memref<128x128xf32, #tpu.memory_space<vmem>>) offsets(%dma_start3A_27 : memref<128xi32, #tpu.memory_space<vmem>>) semaphore(%arg7 : memref<!tpu.dma_semaphore, #tpu.memory_space<semaphore_mem>>)
    %dma_wait3A_31 = arith.constant 1 : i32
    %dma_wait3A_32 = arith.constant 128 : i32
    %dma_wait3A_33 = arith.constant 0 : i32
    %dma_wait3A_34 = tpu.memref_slice %arg6[%dma_wait3A_32, %dma_wait3A_33] : memref<512x128xf32, #tpu.memory_space<vmem>> -> memref<128x128xf32, #tpu.memory_space<vmem>>
    %dma_wait3A_35 = arith.constant 0 : i32
    %dma_wait3A_36 = tpu.memref_slice %arg5[%dma_wait3A_31, %dma_wait3A_35] : memref<4x128xi32, #tpu.memory_space<vmem>> -> memref<1x128xi32, #tpu.memory_space<vmem>>
    %dma_wait3A_37 = tpu.memref_squeeze %dma_wait3A_36 : memref<1x128xi32, #tpu.memory_space<vmem>> -> memref<128xi32, #tpu.memory_space<vmem>>
    %dma_wait3A_38 = arith.constant 0 : i32
    %dma_wait3A_39 = arith.constant 0 : i32
    %dma_wait3A_40 = tpu.memref_slice %arg2[%dma_wait3A_38, %dma_wait3A_39] : memref<100352x128xf32, #tpu.memory_space<hbm>> -> memref<100352x128xf32, #tpu.memory_space<hbm>>
    tpu.wait_indirect_dma semaphore(%arg7 : memref<!tpu.dma_semaphore, #tpu.memory_space<semaphore_mem>>) src(%dma_wait3A_40 : memref<100352x128xf32, #tpu.memory_space<hbm>>) dst(%dma_wait3A_34 : memref<128x128xf32, #tpu.memory_space<vmem>>)
    %dma_start3A_41 = arith.constant 2 : i32
    %dma_start3A_42 = arith.constant 256 : i32
    %dma_start3A_43 = arith.constant 0 : i32
    %dma_start3A_44 = tpu.memref_slice %arg6[%dma_start3A_42, %dma_start3A_43] : memref<512x128xf32, #tpu.memory_space<vmem>> -> memref<128x128xf32, #tpu.memory_space<vmem>>
    %dma_start3A_45 = arith.constant 0 : i32
    %dma_start3A_46 = tpu.memref_slice %arg5[%dma_start3A_41, %dma_start3A_45] : memref<4x128xi32, #tpu.memory_space<vmem>> -> memref<1x128xi32, #tpu.memory_space<vmem>>
    %dma_start3A_47 = tpu.memref_squeeze %dma_start3A_46 : memref<1x128xi32, #tpu.memory_space<vmem>> -> memref<128xi32, #tpu.memory_space<vmem>>
    %dma_start3A_48 = arith.constant 0 : i32
    %dma_start3A_49 = arith.constant 0 : i32
    %dma_start3A_50 = tpu.memref_slice %arg2[%dma_start3A_48, %dma_start3A_49] : memref<100352x128xf32, #tpu.memory_space<hbm>> -> memref<100352x128xf32, #tpu.memory_space<hbm>>
    tpu.enqueue_indirect_dma source(%dma_start3A_50 : memref<100352x128xf32, #tpu.memory_space<hbm>>) target(%dma_start3A_44 : memref<128x128xf32, #tpu.memory_space<vmem>>) offsets(%dma_start3A_47 : memref<128xi32, #tpu.memory_space<vmem>>) semaphore(%arg7 : memref<!tpu.dma_semaphore, #tpu.memory_space<semaphore_mem>>)
    %dma_wait3A_51 = arith.constant 2 : i32
    %dma_wait3A_52 = arith.constant 256 : i32
    %dma_wait3A_53 = arith.constant 0 : i32
    %dma_wait3A_54 = tpu.memref_slice %arg6[%dma_wait3A_52, %dma_wait3A_53] : memref<512x128xf32, #tpu.memory_space<vmem>> -> memref<128x128xf32, #tpu.memory_space<vmem>>
    %dma_wait3A_55 = arith.constant 0 : i32
    %dma_wait3A_56 = tpu.memref_slice %arg5[%dma_wait3A_51, %dma_wait3A_55] : memref<4x128xi32, #tpu.memory_space<vmem>> -> memref<1x128xi32, #tpu.memory_space<vmem>>
    %dma_wait3A_57 = tpu.memref_squeeze %dma_wait3A_56 : memref<1x128xi32, #tpu.memory_space<vmem>> -> memref<128xi32, #tpu.memory_space<vmem>>
    %dma_wait3A_58 = arith.constant 0 : i32
    %dma_wait3A_59 = arith.constant 0 : i32
    %dma_wait3A_60 = tpu.memref_slice %arg2[%dma_wait3A_58, %dma_wait3A_59] : memref<100352x128xf32, #tpu.memory_space<hbm>> -> memref<100352x128xf32, #tpu.memory_space<hbm>>
    tpu.wait_indirect_dma semaphore(%arg7 : memref<!tpu.dma_semaphore, #tpu.memory_space<semaphore_mem>>) src(%dma_wait3A_60 : memref<100352x128xf32, #tpu.memory_space<hbm>>) dst(%dma_wait3A_54 : memref<128x128xf32, #tpu.memory_space<vmem>>)
    %dma_start3A_61 = arith.constant 3 : i32
    %dma_start3A_62 = arith.constant 384 : i32
    %dma_start3A_63 = arith.constant 0 : i32
    %dma_start3A_64 = tpu.memref_slice %arg6[%dma_start3A_62, %dma_start3A_63] : memref<512x128xf32, #tpu.memory_space<vmem>> -> memref<128x128xf32, #tpu.memory_space<vmem>>
    %dma_start3A_65 = arith.constant 0 : i32
    %dma_start3A_66 = tpu.memref_slice %arg5[%dma_start3A_61, %dma_start3A_65] : memref<4x128xi32, #tpu.memory_space<vmem>> -> memref<1x128xi32, #tpu.memory_space<vmem>>
    %dma_start3A_67 = tpu.memref_squeeze %dma_start3A_66 : memref<1x128xi32, #tpu.memory_space<vmem>> -> memref<128xi32, #tpu.memory_space<vmem>>
    %dma_start3A_68 = arith.constant 0 : i32
    %dma_start3A_69 = arith.constant 0 : i32
    %dma_start3A_70 = tpu.memref_slice %arg2[%dma_start3A_68, %dma_start3A_69] : memref<100352x128xf32, #tpu.memory_space<hbm>> -> memref<100352x128xf32, #tpu.memory_space<hbm>>
    tpu.enqueue_indirect_dma source(%dma_start3A_70 : memref<100352x128xf32, #tpu.memory_space<hbm>>) target(%dma_start3A_64 : memref<128x128xf32, #tpu.memory_space<vmem>>) offsets(%dma_start3A_67 : memref<128xi32, #tpu.memory_space<vmem>>) semaphore(%arg7 : memref<!tpu.dma_semaphore, #tpu.memory_space<semaphore_mem>>)
    %dma_wait3A_71 = arith.constant 3 : i32
    %dma_wait3A_72 = arith.constant 384 : i32
    %dma_wait3A_73 = arith.constant 0 : i32
    %dma_wait3A_74 = tpu.memref_slice %arg6[%dma_wait3A_72, %dma_wait3A_73] : memref<512x128xf32, #tpu.memory_space<vmem>> -> memref<128x128xf32, #tpu.memory_space<vmem>>
    %dma_wait3A_75 = arith.constant 0 : i32
    %dma_wait3A_76 = tpu.memref_slice %arg5[%dma_wait3A_71, %dma_wait3A_75] : memref<4x128xi32, #tpu.memory_space<vmem>> -> memref<1x128xi32, #tpu.memory_space<vmem>>
    %dma_wait3A_77 = tpu.memref_squeeze %dma_wait3A_76 : memref<1x128xi32, #tpu.memory_space<vmem>> -> memref<128xi32, #tpu.memory_space<vmem>>
    %dma_wait3A_78 = arith.constant 0 : i32
    %dma_wait3A_79 = arith.constant 0 : i32
    %dma_wait3A_80 = tpu.memref_slice %arg2[%dma_wait3A_78, %dma_wait3A_79] : memref<100352x128xf32, #tpu.memory_space<hbm>> -> memref<100352x128xf32, #tpu.memory_space<hbm>>
    tpu.wait_indirect_dma semaphore(%arg7 : memref<!tpu.dma_semaphore, #tpu.memory_space<semaphore_mem>>) src(%dma_wait3A_80 : memref<100352x128xf32, #tpu.memory_space<hbm>>) dst(%dma_wait3A_74 : memref<128x128xf32, #tpu.memory_space<vmem>>)
    %mul3A_81 = arith.constant 512 : i32
    %mul3A_82 = arith.muli %add3A, %mul3A_81 : i32
    "tpu.region"() ({
      %run_scoped3A = tpu.sem_alloc : memref<!tpu.dma_semaphore, #tpu.memory_space<semaphore_mem>>
      %dma_start3A_83 = arith.constant 0 : i32
      %dma_start3A_84 = tpu.memref_slice %arg4[%mul3A_82, %dma_start3A_83] : memref<16384x128xf32, #tpu.memory_space<hbm>> -> memref<512x128xf32, #tpu.memory_space<hbm>>
      %dma_start3A_85 = arith.constant 0 : i32
      %dma_start3A_86 = tpu.memref_slice %arg4[%mul3A_82, %dma_start3A_85] : memref<16384x128xf32, #tpu.memory_space<hbm>> -> memref<512x128xf32, #tpu.memory_space<hbm>>
      tpu.enqueue_dma source(%arg6 : memref<512x128xf32, #tpu.memory_space<vmem>>) target(%dma_start3A_86 : memref<512x128xf32, #tpu.memory_space<hbm>>) target_semaphore(%run_scoped3A : memref<!tpu.dma_semaphore, #tpu.memory_space<semaphore_mem>>)
      %dma_wait3A_87 = arith.constant 0 : i32
      %dma_wait3A_88 = tpu.memref_slice %arg4[%mul3A_82, %dma_wait3A_87] : memref<16384x128xf32, #tpu.memory_space<hbm>> -> memref<512x128xf32, #tpu.memory_space<hbm>>
      %dma_wait3A_89 = arith.constant 0 : i32
      %dma_wait3A_90 = tpu.memref_slice %arg4[%mul3A_82, %dma_wait3A_89] : memref<16384x128xf32, #tpu.memory_space<hbm>> -> memref<512x128xf32, #tpu.memory_space<hbm>>
      tpu.wait_dma2 semaphore(%run_scoped3A : memref<!tpu.dma_semaphore, #tpu.memory_space<semaphore_mem>>) src(%arg6 : memref<512x128xf32, #tpu.memory_space<vmem>>) dst(%dma_wait3A_90 : memref<512x128xf32, #tpu.memory_space<hbm>>)
      tpu.yield
    }) : () -> ()
    return
  }
}

#map = affine_map<(d0, d1) -> (0, 0)>
module attributes {stable_mosaic.version = 14 : i64} {
  func.func @gather_k(%arg0: i32, %arg1: i32, %arg2: memref<802816x128xf32, #tpu.memory_space<hbm>>, %arg3: memref<128x128xi32, #tpu.memory_space<hbm>>, %arg4: memref<16384x128xf32, #tpu.memory_space<hbm>>, %arg5: memref<4x128xi32, #tpu.memory_space<vmem>>, %arg6: memref<512x128xf32, #tpu.memory_space<vmem>>, %arg7: memref<!tpu.dma_semaphore, #tpu.memory_space<semaphore_mem>>) attributes {dimension_semantics = [#tpu.dimension_semantics<core_parallel>, #tpu.dimension_semantics<subcore_parallel>], iteration_bounds = array<i64: 2, 16>, scalar_prefetch = 0 : i64, scratch_operands = 3 : i64, tpu.core_type = #tpu.core_type<sc_vector_subcore>, window_params = [{transform_indices = #map}, {transform_indices = #map}, {transform_indices = #map}]} {
    %mul3A = arith.constant 2 : i32
    %mul3A_0 = arith.muli %arg1, %mul3A : i32
    %add3A = arith.addi %mul3A_0, %arg0 : i32
    %mul3A_1 = arith.constant 4 : i32
    %mul3A_2 = arith.muli %add3A, %mul3A_1 : i32
    "tpu.region"() ({
      %run_scoped3A = tpu.sem_alloc : memref<!tpu.dma_semaphore, #tpu.memory_space<semaphore_mem>>
      %dma_start3A_83 = arith.constant 0 : i32
      %dma_start3A_84 = tpu.memref_slice %arg3[%mul3A_2, %dma_start3A_83] : memref<128x128xi32, #tpu.memory_space<hbm>> -> memref<4x128xi32, #tpu.memory_space<hbm>>
      %dma_start3A_85 = arith.constant 0 : i32
      %dma_start3A_86 = tpu.memref_slice %arg3[%mul3A_2, %dma_start3A_85] : memref<128x128xi32, #tpu.memory_space<hbm>> -> memref<4x128xi32, #tpu.memory_space<hbm>>
      tpu.enqueue_dma source(%dma_start3A_86 : memref<4x128xi32, #tpu.memory_space<hbm>>) target(%arg5 : memref<4x128xi32, #tpu.memory_space<vmem>>) target_semaphore(%run_scoped3A : memref<!tpu.dma_semaphore, #tpu.memory_space<semaphore_mem>>)
      %dma_wait3A_87 = arith.constant 0 : i32
      %dma_wait3A_88 = tpu.memref_slice %arg3[%mul3A_2, %dma_wait3A_87] : memref<128x128xi32, #tpu.memory_space<hbm>> -> memref<4x128xi32, #tpu.memory_space<hbm>>
      %dma_wait3A_89 = arith.constant 0 : i32
      %dma_wait3A_90 = tpu.memref_slice %arg3[%mul3A_2, %dma_wait3A_89] : memref<128x128xi32, #tpu.memory_space<hbm>> -> memref<4x128xi32, #tpu.memory_space<hbm>>
      tpu.wait_dma2 semaphore(%run_scoped3A : memref<!tpu.dma_semaphore, #tpu.memory_space<semaphore_mem>>) src(%dma_wait3A_90 : memref<4x128xi32, #tpu.memory_space<hbm>>) dst(%arg5 : memref<4x128xi32, #tpu.memory_space<vmem>>)
      tpu.yield
    }) : () -> ()
    %dma_start3A = arith.constant 0 : i32
    %dma_start3A_3 = arith.constant 0 : i32
    %dma_start3A_4 = arith.constant 0 : i32
    %dma_start3A_5 = tpu.memref_slice %arg6[%dma_start3A_3, %dma_start3A_4] : memref<512x128xf32, #tpu.memory_space<vmem>> -> memref<128x128xf32, #tpu.memory_space<vmem>>
    %dma_start3A_6 = arith.constant 0 : i32
    %dma_start3A_7 = tpu.memref_slice %arg5[%dma_start3A, %dma_start3A_6] : memref<4x128xi32, #tpu.memory_space<vmem>> -> memref<1x128xi32, #tpu.memory_space<vmem>>
    %dma_start3A_8 = tpu.memref_squeeze %dma_start3A_7 : memref<1x128xi32, #tpu.memory_space<vmem>> -> memref<128xi32, #tpu.memory_space<vmem>>
    %dma_start3A_9 = arith.constant 0 : i32
    %dma_start3A_10 = arith.constant 0 : i32
    %dma_start3A_11 = tpu.memref_slice %arg2[%dma_start3A_9, %dma_start3A_10] : memref<802816x128xf32, #tpu.memory_space<hbm>> -> memref<802816x128xf32, #tpu.memory_space<hbm>>
    tpu.enqueue_indirect_dma source(%dma_start3A_11 : memref<802816x128xf32, #tpu.memory_space<hbm>>) target(%dma_start3A_5 : memref<128x128xf32, #tpu.memory_space<vmem>>) offsets(%dma_start3A_8 : memref<128xi32, #tpu.memory_space<vmem>>) semaphore(%arg7 : memref<!tpu.dma_semaphore, #tpu.memory_space<semaphore_mem>>)
    %dma_wait3A = arith.constant 0 : i32
    %dma_wait3A_12 = arith.constant 0 : i32
    %dma_wait3A_13 = arith.constant 0 : i32
    %dma_wait3A_14 = tpu.memref_slice %arg6[%dma_wait3A_12, %dma_wait3A_13] : memref<512x128xf32, #tpu.memory_space<vmem>> -> memref<128x128xf32, #tpu.memory_space<vmem>>
    %dma_wait3A_15 = arith.constant 0 : i32
    %dma_wait3A_16 = tpu.memref_slice %arg5[%dma_wait3A, %dma_wait3A_15] : memref<4x128xi32, #tpu.memory_space<vmem>> -> memref<1x128xi32, #tpu.memory_space<vmem>>
    %dma_wait3A_17 = tpu.memref_squeeze %dma_wait3A_16 : memref<1x128xi32, #tpu.memory_space<vmem>> -> memref<128xi32, #tpu.memory_space<vmem>>
    %dma_wait3A_18 = arith.constant 0 : i32
    %dma_wait3A_19 = arith.constant 0 : i32
    %dma_wait3A_20 = tpu.memref_slice %arg2[%dma_wait3A_18, %dma_wait3A_19] : memref<802816x128xf32, #tpu.memory_space<hbm>> -> memref<802816x128xf32, #tpu.memory_space<hbm>>
    tpu.wait_indirect_dma semaphore(%arg7 : memref<!tpu.dma_semaphore, #tpu.memory_space<semaphore_mem>>) src(%dma_wait3A_20 : memref<802816x128xf32, #tpu.memory_space<hbm>>) dst(%dma_wait3A_14 : memref<128x128xf32, #tpu.memory_space<vmem>>)
    %dma_start3A_21 = arith.constant 1 : i32
    %dma_start3A_22 = arith.constant 128 : i32
    %dma_start3A_23 = arith.constant 0 : i32
    %dma_start3A_24 = tpu.memref_slice %arg6[%dma_start3A_22, %dma_start3A_23] : memref<512x128xf32, #tpu.memory_space<vmem>> -> memref<128x128xf32, #tpu.memory_space<vmem>>
    %dma_start3A_25 = arith.constant 0 : i32
    %dma_start3A_26 = tpu.memref_slice %arg5[%dma_start3A_21, %dma_start3A_25] : memref<4x128xi32, #tpu.memory_space<vmem>> -> memref<1x128xi32, #tpu.memory_space<vmem>>
    %dma_start3A_27 = tpu.memref_squeeze %dma_start3A_26 : memref<1x128xi32, #tpu.memory_space<vmem>> -> memref<128xi32, #tpu.memory_space<vmem>>
    %dma_start3A_28 = arith.constant 0 : i32
    %dma_start3A_29 = arith.constant 0 : i32
    %dma_start3A_30 = tpu.memref_slice %arg2[%dma_start3A_28, %dma_start3A_29] : memref<802816x128xf32, #tpu.memory_space<hbm>> -> memref<802816x128xf32, #tpu.memory_space<hbm>>
    tpu.enqueue_indirect_dma source(%dma_start3A_30 : memref<802816x128xf32, #tpu.memory_space<hbm>>) target(%dma_start3A_24 : memref<128x128xf32, #tpu.memory_space<vmem>>) offsets(%dma_start3A_27 : memref<128xi32, #tpu.memory_space<vmem>>) semaphore(%arg7 : memref<!tpu.dma_semaphore, #tpu.memory_space<semaphore_mem>>)
    %dma_wait3A_31 = arith.constant 1 : i32
    %dma_wait3A_32 = arith.constant 128 : i32
    %dma_wait3A_33 = arith.constant 0 : i32
    %dma_wait3A_34 = tpu.memref_slice %arg6[%dma_wait3A_32, %dma_wait3A_33] : memref<512x128xf32, #tpu.memory_space<vmem>> -> memref<128x128xf32, #tpu.memory_space<vmem>>
    %dma_wait3A_35 = arith.constant 0 : i32
    %dma_wait3A_36 = tpu.memref_slice %arg5[%dma_wait3A_31, %dma_wait3A_35] : memref<4x128xi32, #tpu.memory_space<vmem>> -> memref<1x128xi32, #tpu.memory_space<vmem>>
    %dma_wait3A_37 = tpu.memref_squeeze %dma_wait3A_36 : memref<1x128xi32, #tpu.memory_space<vmem>> -> memref<128xi32, #tpu.memory_space<vmem>>
    %dma_wait3A_38 = arith.constant 0 : i32
    %dma_wait3A_39 = arith.constant 0 : i32
    %dma_wait3A_40 = tpu.memref_slice %arg2[%dma_wait3A_38, %dma_wait3A_39] : memref<802816x128xf32, #tpu.memory_space<hbm>> -> memref<802816x128xf32, #tpu.memory_space<hbm>>
    tpu.wait_indirect_dma semaphore(%arg7 : memref<!tpu.dma_semaphore, #tpu.memory_space<semaphore_mem>>) src(%dma_wait3A_40 : memref<802816x128xf32, #tpu.memory_space<hbm>>) dst(%dma_wait3A_34 : memref<128x128xf32, #tpu.memory_space<vmem>>)
    %dma_start3A_41 = arith.constant 2 : i32
    %dma_start3A_42 = arith.constant 256 : i32
    %dma_start3A_43 = arith.constant 0 : i32
    %dma_start3A_44 = tpu.memref_slice %arg6[%dma_start3A_42, %dma_start3A_43] : memref<512x128xf32, #tpu.memory_space<vmem>> -> memref<128x128xf32, #tpu.memory_space<vmem>>
    %dma_start3A_45 = arith.constant 0 : i32
    %dma_start3A_46 = tpu.memref_slice %arg5[%dma_start3A_41, %dma_start3A_45] : memref<4x128xi32, #tpu.memory_space<vmem>> -> memref<1x128xi32, #tpu.memory_space<vmem>>
    %dma_start3A_47 = tpu.memref_squeeze %dma_start3A_46 : memref<1x128xi32, #tpu.memory_space<vmem>> -> memref<128xi32, #tpu.memory_space<vmem>>
    %dma_start3A_48 = arith.constant 0 : i32
    %dma_start3A_49 = arith.constant 0 : i32
    %dma_start3A_50 = tpu.memref_slice %arg2[%dma_start3A_48, %dma_start3A_49] : memref<802816x128xf32, #tpu.memory_space<hbm>> -> memref<802816x128xf32, #tpu.memory_space<hbm>>
    tpu.enqueue_indirect_dma source(%dma_start3A_50 : memref<802816x128xf32, #tpu.memory_space<hbm>>) target(%dma_start3A_44 : memref<128x128xf32, #tpu.memory_space<vmem>>) offsets(%dma_start3A_47 : memref<128xi32, #tpu.memory_space<vmem>>) semaphore(%arg7 : memref<!tpu.dma_semaphore, #tpu.memory_space<semaphore_mem>>)
    %dma_wait3A_51 = arith.constant 2 : i32
    %dma_wait3A_52 = arith.constant 256 : i32
    %dma_wait3A_53 = arith.constant 0 : i32
    %dma_wait3A_54 = tpu.memref_slice %arg6[%dma_wait3A_52, %dma_wait3A_53] : memref<512x128xf32, #tpu.memory_space<vmem>> -> memref<128x128xf32, #tpu.memory_space<vmem>>
    %dma_wait3A_55 = arith.constant 0 : i32
    %dma_wait3A_56 = tpu.memref_slice %arg5[%dma_wait3A_51, %dma_wait3A_55] : memref<4x128xi32, #tpu.memory_space<vmem>> -> memref<1x128xi32, #tpu.memory_space<vmem>>
    %dma_wait3A_57 = tpu.memref_squeeze %dma_wait3A_56 : memref<1x128xi32, #tpu.memory_space<vmem>> -> memref<128xi32, #tpu.memory_space<vmem>>
    %dma_wait3A_58 = arith.constant 0 : i32
    %dma_wait3A_59 = arith.constant 0 : i32
    %dma_wait3A_60 = tpu.memref_slice %arg2[%dma_wait3A_58, %dma_wait3A_59] : memref<802816x128xf32, #tpu.memory_space<hbm>> -> memref<802816x128xf32, #tpu.memory_space<hbm>>
    tpu.wait_indirect_dma semaphore(%arg7 : memref<!tpu.dma_semaphore, #tpu.memory_space<semaphore_mem>>) src(%dma_wait3A_60 : memref<802816x128xf32, #tpu.memory_space<hbm>>) dst(%dma_wait3A_54 : memref<128x128xf32, #tpu.memory_space<vmem>>)
    %dma_start3A_61 = arith.constant 3 : i32
    %dma_start3A_62 = arith.constant 384 : i32
    %dma_start3A_63 = arith.constant 0 : i32
    %dma_start3A_64 = tpu.memref_slice %arg6[%dma_start3A_62, %dma_start3A_63] : memref<512x128xf32, #tpu.memory_space<vmem>> -> memref<128x128xf32, #tpu.memory_space<vmem>>
    %dma_start3A_65 = arith.constant 0 : i32
    %dma_start3A_66 = tpu.memref_slice %arg5[%dma_start3A_61, %dma_start3A_65] : memref<4x128xi32, #tpu.memory_space<vmem>> -> memref<1x128xi32, #tpu.memory_space<vmem>>
    %dma_start3A_67 = tpu.memref_squeeze %dma_start3A_66 : memref<1x128xi32, #tpu.memory_space<vmem>> -> memref<128xi32, #tpu.memory_space<vmem>>
    %dma_start3A_68 = arith.constant 0 : i32
    %dma_start3A_69 = arith.constant 0 : i32
    %dma_start3A_70 = tpu.memref_slice %arg2[%dma_start3A_68, %dma_start3A_69] : memref<802816x128xf32, #tpu.memory_space<hbm>> -> memref<802816x128xf32, #tpu.memory_space<hbm>>
    tpu.enqueue_indirect_dma source(%dma_start3A_70 : memref<802816x128xf32, #tpu.memory_space<hbm>>) target(%dma_start3A_64 : memref<128x128xf32, #tpu.memory_space<vmem>>) offsets(%dma_start3A_67 : memref<128xi32, #tpu.memory_space<vmem>>) semaphore(%arg7 : memref<!tpu.dma_semaphore, #tpu.memory_space<semaphore_mem>>)
    %dma_wait3A_71 = arith.constant 3 : i32
    %dma_wait3A_72 = arith.constant 384 : i32
    %dma_wait3A_73 = arith.constant 0 : i32
    %dma_wait3A_74 = tpu.memref_slice %arg6[%dma_wait3A_72, %dma_wait3A_73] : memref<512x128xf32, #tpu.memory_space<vmem>> -> memref<128x128xf32, #tpu.memory_space<vmem>>
    %dma_wait3A_75 = arith.constant 0 : i32
    %dma_wait3A_76 = tpu.memref_slice %arg5[%dma_wait3A_71, %dma_wait3A_75] : memref<4x128xi32, #tpu.memory_space<vmem>> -> memref<1x128xi32, #tpu.memory_space<vmem>>
    %dma_wait3A_77 = tpu.memref_squeeze %dma_wait3A_76 : memref<1x128xi32, #tpu.memory_space<vmem>> -> memref<128xi32, #tpu.memory_space<vmem>>
    %dma_wait3A_78 = arith.constant 0 : i32
    %dma_wait3A_79 = arith.constant 0 : i32
    %dma_wait3A_80 = tpu.memref_slice %arg2[%dma_wait3A_78, %dma_wait3A_79] : memref<802816x128xf32, #tpu.memory_space<hbm>> -> memref<802816x128xf32, #tpu.memory_space<hbm>>
    tpu.wait_indirect_dma semaphore(%arg7 : memref<!tpu.dma_semaphore, #tpu.memory_space<semaphore_mem>>) src(%dma_wait3A_80 : memref<802816x128xf32, #tpu.memory_space<hbm>>) dst(%dma_wait3A_74 : memref<128x128xf32, #tpu.memory_space<vmem>>)
    %mul3A_81 = arith.constant 512 : i32
    %mul3A_82 = arith.muli %add3A, %mul3A_81 : i32
    "tpu.region"() ({
      %run_scoped3A = tpu.sem_alloc : memref<!tpu.dma_semaphore, #tpu.memory_space<semaphore_mem>>
      %dma_start3A_83 = arith.constant 0 : i32
      %dma_start3A_84 = tpu.memref_slice %arg4[%mul3A_82, %dma_start3A_83] : memref<16384x128xf32, #tpu.memory_space<hbm>> -> memref<512x128xf32, #tpu.memory_space<hbm>>
      %dma_start3A_85 = arith.constant 0 : i32
      %dma_start3A_86 = tpu.memref_slice %arg4[%mul3A_82, %dma_start3A_85] : memref<16384x128xf32, #tpu.memory_space<hbm>> -> memref<512x128xf32, #tpu.memory_space<hbm>>
      tpu.enqueue_dma source(%arg6 : memref<512x128xf32, #tpu.memory_space<vmem>>) target(%dma_start3A_86 : memref<512x128xf32, #tpu.memory_space<hbm>>) target_semaphore(%run_scoped3A : memref<!tpu.dma_semaphore, #tpu.memory_space<semaphore_mem>>)
      %dma_wait3A_87 = arith.constant 0 : i32
      %dma_wait3A_88 = tpu.memref_slice %arg4[%mul3A_82, %dma_wait3A_87] : memref<16384x128xf32, #tpu.memory_space<hbm>> -> memref<512x128xf32, #tpu.memory_space<hbm>>
      %dma_wait3A_89 = arith.constant 0 : i32
      %dma_wait3A_90 = tpu.memref_slice %arg4[%mul3A_82, %dma_wait3A_89] : memref<16384x128xf32, #tpu.memory_space<hbm>> -> memref<512x128xf32, #tpu.memory_space<hbm>>
      tpu.wait_dma2 semaphore(%run_scoped3A : memref<!tpu.dma_semaphore, #tpu.memory_space<semaphore_mem>>) src(%arg6 : memref<512x128xf32, #tpu.memory_space<vmem>>) dst(%dma_wait3A_90 : memref<512x128xf32, #tpu.memory_space<hbm>>)
      tpu.yield
    }) : () -> ()
    return
  }
}

module attributes {stable_mosaic.version = 14 : i64} {
  func.func @_matmul_body(%arg0: i32, %arg1: i32, %arg2: memref<1024x128xf32, #tpu.memory_space<vmem>>, %arg3: memref<2048x128xf32, #tpu.memory_space<vmem>>, %arg4: memref<1024x2048xf32, #tpu.memory_space<vmem>>, %arg5: memref<1x1024x16xf32, #tpu.memory_space<vmem>>) attributes {dimension_semantics = [#tpu.dimension_semantics<arbitrary>, #tpu.dimension_semantics<arbitrary>], iteration_bounds = array<i64: 49, 1>, scalar_prefetch = 0 : i64, scratch_operands = 0 : i64, tpu.core_type = #tpu.core_type<tc>, window_params = [{transform_indices = @transform_0, window_bounds = array<i64: 1024, 128>}, {transform_indices = @transform_1, window_bounds = array<i64: 2048, 128>}, {transform_indices = @transform_2, window_bounds = array<i64: 1024, 2048>}, {transform_indices = @transform_3, window_bounds = array<i64: 1, 1024, 16>}]} {
    %get3A = arith.constant 0 : index
    %get3A_0 = arith.constant 0 : index
    %get3A_1 = vector.load %arg2[%get3A, %get3A_0] : memref<1024x128xf32, #tpu.memory_space<vmem>>, vector<1024x128xf32>
    %get3A_2 = arith.constant 0 : index
    %get3A_3 = arith.constant 0 : index
    %get3A_4 = vector.load %arg3[%get3A_2, %get3A_3] : memref<2048x128xf32, #tpu.memory_space<vmem>>, vector<2048x128xf32>
    %dot_general3A = arith.constant dense<0.000000e+00> : vector<1024x2048xf32>
    %dot_general3A_5 = tpu.matmul %get3A_1, %get3A_4, %dot_general3A {dimension_numbers = #tpu.dot_dimension_numbers<[1], [1], [0], [0], [0, 0, 1, 0], [], []>, transpose_lhs_hint = false} : vector<1024x128xf32>, vector<2048x128xf32>, vector<1024x2048xf32> -> vector<1024x2048xf32>
    %lt3A = arith.constant 48 : i32
    %lt3A_6 = arith.cmpi slt, %arg0, %lt3A : i32
    %convert_element_type3A = arith.extui %lt3A_6 : i1 to i32
    %cond3A = arith.constant 0 : i32
    %cond3A_7 = arith.cmpi ne, %convert_element_type3A, %cond3A : i32
    scf.if %cond3A_7 {
      %swap3A = arith.constant 0 : index
      %swap3A_12 = arith.constant 0 : index
      %swap3A_13 = vector.load %arg4[%swap3A, %swap3A_12] : memref<1024x2048xf32, #tpu.memory_space<vmem>>, vector<1024x2048xf32>
      tpu.vector_store %arg4[%swap3A, %swap3A_12], %dot_general3A_5 {strides = array<i32>} : memref<1024x2048xf32, #tpu.memory_space<vmem>>, vector<1024x2048xf32>,
      %reshape3A = vector.shape_cast %dot_general3A_5 : vector<1024x2048xf32> to vector<1024x16x128xf32>
      %reduce_max3A = arith.constant dense<0xFF800000> : vector<1024x16xf32>
      %reduce_max3A_14 = vector.multi_reduction <maximumf>, %reshape3A, %reduce_max3A [2] : vector<1024x16x128xf32> to vector<1024x16xf32>
      %reshape3A_15 = vector.shape_cast %reduce_max3A_14 : vector<1024x16xf32> to vector<1x1024x16xf32>
      %swap3A_16 = arith.constant 0 : index
      %swap3A_17 = arith.constant 0 : index
      %swap3A_18 = arith.constant 0 : index
      %swap3A_19 = vector.load %arg5[%swap3A_16, %swap3A_17, %swap3A_18] : memref<1x1024x16xf32, #tpu.memory_space<vmem>>, vector<1x1024x16xf32>
      tpu.vector_store %arg5[%swap3A_16, %swap3A_17, %swap3A_18], %reshape3A_15 {strides = array<i32>} : memref<1x1024x16xf32, #tpu.memory_space<vmem>>, vector<1x1024x16xf32>,
    } else {
    }
    %eq3A = arith.constant 48 : i32
    %eq3A_8 = arith.cmpi eq, %arg0, %eq3A : i32
    %convert_element_type3A_9 = arith.extui %eq3A_8 : i1 to i32
    %cond3A_10 = arith.constant 0 : i32
    %cond3A_11 = arith.cmpi ne, %convert_element_type3A_9, %cond3A_10 : i32
    scf.if %cond3A_11 {
      %iota3A = tpu.iota {dimensions = array<i32: 1>} : vector<1024x2048xi32>
      %mul3A = arith.constant 2048 : i32
      %mul3A_12 = arith.muli %arg0, %mul3A : i32
      %add3A = vector.broadcast %mul3A_12 : i32 to vector<1024x2048xi32>
      %add3A_13 = arith.addi %iota3A, %add3A : vector<1024x2048xi32>
      %ge3A = arith.constant 100000 : i32
      %ge3A_14 = vector.broadcast %ge3A : i32 to vector<1024x2048xi32>
      %ge3A_15 = arith.cmpi sge, %add3A_13, %ge3A_14 : vector<1024x2048xi32>
      %jit3A = arith.constant -3.000000e+00 : f32
      %broadcast_in_dim3A = vector.broadcast %jit3A : f32 to vector<1024x2048xf32>
      %select_n3A = arith.select %ge3A_15, %broadcast_in_dim3A, %dot_general3A_5 : vector<1024x2048xi1>, vector<1024x2048xf32>
      %swap3A = arith.constant 0 : index
      %swap3A_16 = arith.constant 0 : index
      %swap3A_17 = vector.load %arg4[%swap3A, %swap3A_16] : memref<1024x2048xf32, #tpu.memory_space<vmem>>, vector<1024x2048xf32>
      tpu.vector_store %arg4[%swap3A, %swap3A_16], %select_n3A {strides = array<i32>} : memref<1024x2048xf32, #tpu.memory_space<vmem>>, vector<1024x2048xf32>,
      %reshape3A = vector.shape_cast %select_n3A : vector<1024x2048xf32> to vector<1024x16x128xf32>
      %reduce_max3A = arith.constant dense<0xFF800000> : vector<1024x16xf32>
      %reduce_max3A_18 = vector.multi_reduction <maximumf>, %reshape3A, %reduce_max3A [2] : vector<1024x16x128xf32> to vector<1024x16xf32>
      %reshape3A_19 = vector.shape_cast %reduce_max3A_18 : vector<1024x16xf32> to vector<1x1024x16xf32>
      %swap3A_20 = arith.constant 0 : index
      %swap3A_21 = arith.constant 0 : index
      %swap3A_22 = arith.constant 0 : index
      %swap3A_23 = vector.load %arg5[%swap3A_20, %swap3A_21, %swap3A_22] : memref<1x1024x16xf32, #tpu.memory_space<vmem>>, vector<1x1024x16xf32>
      tpu.vector_store %arg5[%swap3A_20, %swap3A_21, %swap3A_22], %reshape3A_19 {strides = array<i32>} : memref<1x1024x16xf32, #tpu.memory_space<vmem>>, vector<1x1024x16xf32>,
    } else {
    }
    return
  }
  func.func @transform_0(%arg0: i32, %arg1: i32) -> (i32, i32) {
    %c0_i32 = arith.constant 0 : i32
    %c0_i32_0 = arith.constant 0 : i32
    return %arg1, %c0_i32 : i32, i32
  }
  func.func @transform_1(%arg0: i32, %arg1: i32) -> (i32, i32) {
    %c0_i32 = arith.constant 0 : i32
    %c0_i32_0 = arith.constant 0 : i32
    return %arg0, %c0_i32 : i32, i32
  }
  func.func @transform_2(%arg0: i32, %arg1: i32) -> (i32, i32) {
    %c0_i32 = arith.constant 0 : i32
    return %arg1, %arg0 : i32, i32
  }
  func.func @transform_3(%arg0: i32, %arg1: i32) -> (i32, i32, i32) {
    %c0_i32 = arith.constant 0 : i32
    %c0_i32_0 = arith.constant 0 : i32
    return %arg0, %arg1, %c0_i32 : i32, i32, i32
  }
}

module attributes {stable_mosaic.version = 14 : i64} {
  func.func @_group_topk_body(%arg0: i32, %arg1: memref<256x784xf32, #tpu.memory_space<vmem>>, %arg2: memref<256x16xi32, #tpu.memory_space<vmem>>, %arg3: memref<256x16xi32, #tpu.memory_space<vmem>>) attributes {dimension_semantics = [#tpu.dimension_semantics<arbitrary>], iteration_bounds = array<i64: 4>, scalar_prefetch = 0 : i64, scratch_operands = 0 : i64, tpu.core_type = #tpu.core_type<tc>, window_params = [{transform_indices = @transform_0, window_bounds = array<i64: 256, 784>}, {transform_indices = @transform_1, window_bounds = array<i64: 256, 16>}, {transform_indices = @transform_2, window_bounds = array<i64: 256, 16>}]} {
    %get3A = arith.constant 0 : index
    %get3A_0 = arith.constant 0 : index
    %get3A_1 = vector.load %arg1[%get3A, %get3A_0] : memref<256x784xf32, #tpu.memory_space<vmem>>, vector<256x784xf32>
    %iota3A = tpu.iota {dimensions = array<i32: 1>} : vector<256x784xi32>
    %reduce_max3A = arith.constant dense<0xFF800000> : vector<256xf32>
    %reduce_max3A_2 = vector.multi_reduction <maximumf>, %get3A_1, %reduce_max3A [1] : vector<256x784xf32> to vector<256xf32>
    %broadcast_in_dim3A = vector.shape_cast %reduce_max3A_2 : vector<256xf32> to vector<256x1xf32>
    %eq3A = vector.broadcast %broadcast_in_dim3A : vector<256x1xf32> to vector<256x784xf32>
    %eq3A_3 = arith.cmpf oeq, %get3A_1, %eq3A : vector<256x784xf32>
    %jit3A = arith.constant 1073741824 : i32
    %broadcast_in_dim3A_4 = vector.broadcast %jit3A : i32 to vector<256x784xi32>
    %select_n3A = arith.select %eq3A_3, %iota3A, %broadcast_in_dim3A_4 : vector<256x784xi1>, vector<256x784xi32>
    %reduce_min3A = arith.constant dense<2147483647> : vector<256xi32>
    %reduce_min3A_5 = vector.multi_reduction <minsi>, %select_n3A, %reduce_min3A [1] : vector<256x784xi32> to vector<256xi32>
    %broadcast_in_dim3A_6 = vector.shape_cast %reduce_min3A_5 : vector<256xi32> to vector<256x1xi32>
    %eq3A_7 = vector.broadcast %broadcast_in_dim3A_6 : vector<256x1xi32> to vector<256x784xi32>
    %eq3A_8 = arith.cmpi eq, %iota3A, %eq3A_7 : vector<256x784xi32>
    %jit3A_9 = arith.constant 0xFF800000 : f32
    %broadcast_in_dim3A_10 = vector.broadcast %jit3A_9 : f32 to vector<256x784xf32>
    %select_n3A_11 = arith.select %eq3A_8, %broadcast_in_dim3A_10, %get3A_1 : vector<256x784xi1>, vector<256x784xf32>
    %reduce_max3A_12 = arith.constant dense<0xFF800000> : vector<256xf32>
    %reduce_max3A_13 = vector.multi_reduction <maximumf>, %select_n3A_11, %reduce_max3A_12 [1] : vector<256x784xf32> to vector<256xf32>
    %broadcast_in_dim3A_14 = vector.shape_cast %reduce_max3A_13 : vector<256xf32> to vector<256x1xf32>
    %eq3A_15 = vector.broadcast %broadcast_in_dim3A_14 : vector<256x1xf32> to vector<256x784xf32>
    %eq3A_16 = arith.cmpf oeq, %select_n3A_11, %eq3A_15 : vector<256x784xf32>
    %jit3A_17 = arith.constant 1073741824 : i32
    %broadcast_in_dim3A_18 = vector.broadcast %jit3A_17 : i32 to vector<256x784xi32>
    %select_n3A_19 = arith.select %eq3A_16, %iota3A, %broadcast_in_dim3A_18 : vector<256x784xi1>, vector<256x784xi32>
    %reduce_min3A_20 = arith.constant dense<2147483647> : vector<256xi32>
    %reduce_min3A_21 = vector.multi_reduction <minsi>, %select_n3A_19, %reduce_min3A_20 [1] : vector<256x784xi32> to vector<256xi32>
    %broadcast_in_dim3A_22 = vector.shape_cast %reduce_min3A_21 : vector<256xi32> to vector<256x1xi32>
    %eq3A_23 = vector.broadcast %broadcast_in_dim3A_22 : vector<256x1xi32> to vector<256x784xi32>
    %eq3A_24 = arith.cmpi eq, %iota3A, %eq3A_23 : vector<256x784xi32>
    %jit3A_25 = arith.constant 0xFF800000 : f32
    %broadcast_in_dim3A_26 = vector.broadcast %jit3A_25 : f32 to vector<256x784xf32>
    %select_n3A_27 = arith.select %eq3A_24, %broadcast_in_dim3A_26, %select_n3A_11 : vector<256x784xi1>, vector<256x784xf32>
    %reduce_max3A_28 = arith.constant dense<0xFF800000> : vector<256xf32>
    %reduce_max3A_29 = vector.multi_reduction <maximumf>, %select_n3A_27, %reduce_max3A_28 [1] : vector<256x784xf32> to vector<256xf32>
    %broadcast_in_dim3A_30 = vector.shape_cast %reduce_max3A_29 : vector<256xf32> to vector<256x1xf32>
    %eq3A_31 = vector.broadcast %broadcast_in_dim3A_30 : vector<256x1xf32> to vector<256x784xf32>
    %eq3A_32 = arith.cmpf oeq, %select_n3A_27, %eq3A_31 : vector<256x784xf32>
    %jit3A_33 = arith.constant 1073741824 : i32
    %broadcast_in_dim3A_34 = vector.broadcast %jit3A_33 : i32 to vector<256x784xi32>
    %select_n3A_35 = arith.select %eq3A_32, %iota3A, %broadcast_in_dim3A_34 : vector<256x784xi1>, vector<256x784xi32>
    %reduce_min3A_36 = arith.constant dense<2147483647> : vector<256xi32>
    %reduce_min3A_37 = vector.multi_reduction <minsi>, %select_n3A_35, %reduce_min3A_36 [1] : vector<256x784xi32> to vector<256xi32>
    %broadcast_in_dim3A_38 = vector.shape_cast %reduce_min3A_37 : vector<256xi32> to vector<256x1xi32>
    %eq3A_39 = vector.broadcast %broadcast_in_dim3A_38 : vector<256x1xi32> to vector<256x784xi32>
    %eq3A_40 = arith.cmpi eq, %iota3A, %eq3A_39 : vector<256x784xi32>
    %jit3A_41 = arith.constant 0xFF800000 : f32
    %broadcast_in_dim3A_42 = vector.broadcast %jit3A_41 : f32 to vector<256x784xf32>
    %select_n3A_43 = arith.select %eq3A_40, %broadcast_in_dim3A_42, %select_n3A_27 : vector<256x784xi1>, vector<256x784xf32>
    %reduce_max3A_44 = arith.constant dense<0xFF800000> : vector<256xf32>
    %reduce_max3A_45 = vector.multi_reduction <maximumf>, %select_n3A_43, %reduce_max3A_44 [1] : vector<256x784xf32> to vector<256xf32>
    %broadcast_in_dim3A_46 = vector.shape_cast %reduce_max3A_45 : vector<256xf32> to vector<256x1xf32>
    %eq3A_47 = vector.broadcast %broadcast_in_dim3A_46 : vector<256x1xf32> to vector<256x784xf32>
    %eq3A_48 = arith.cmpf oeq, %select_n3A_43, %eq3A_47 : vector<256x784xf32>
    %jit3A_49 = arith.constant 1073741824 : i32
    %broadcast_in_dim3A_50 = vector.broadcast %jit3A_49 : i32 to vector<256x784xi32>
    %select_n3A_51 = arith.select %eq3A_48, %iota3A, %broadcast_in_dim3A_50 : vector<256x784xi1>, vector<256x784xi32>
    %reduce_min3A_52 = arith.constant dense<2147483647> : vector<256xi32>
    %reduce_min3A_53 = vector.multi_reduction <minsi>, %select_n3A_51, %reduce_min3A_52 [1] : vector<256x784xi32> to vector<256xi32>
    %broadcast_in_dim3A_54 = vector.shape_cast %reduce_min3A_53 : vector<256xi32> to vector<256x1xi32>
    %eq3A_55 = vector.broadcast %broadcast_in_dim3A_54 : vector<256x1xi32> to vector<256x784xi32>
    %eq3A_56 = arith.cmpi eq, %iota3A, %eq3A_55 : vector<256x784xi32>
    %jit3A_57 = arith.constant 0xFF800000 : f32
    %broadcast_in_dim3A_58 = vector.broadcast %jit3A_57 : f32 to vector<256x784xf32>
    %select_n3A_59 = arith.select %eq3A_56, %broadcast_in_dim3A_58, %select_n3A_43 : vector<256x784xi1>, vector<256x784xf32>
    %reduce_max3A_60 = arith.constant dense<0xFF800000> : vector<256xf32>
    %reduce_max3A_61 = vector.multi_reduction <maximumf>, %select_n3A_59, %reduce_max3A_60 [1] : vector<256x784xf32> to vector<256xf32>
    %broadcast_in_dim3A_62 = vector.shape_cast %reduce_max3A_61 : vector<256xf32> to vector<256x1xf32>
    %eq3A_63 = vector.broadcast %broadcast_in_dim3A_62 : vector<256x1xf32> to vector<256x784xf32>
    %eq3A_64 = arith.cmpf oeq, %select_n3A_59, %eq3A_63 : vector<256x784xf32>
    %jit3A_65 = arith.constant 1073741824 : i32
    %broadcast_in_dim3A_66 = vector.broadcast %jit3A_65 : i32 to vector<256x784xi32>
    %select_n3A_67 = arith.select %eq3A_64, %iota3A, %broadcast_in_dim3A_66 : vector<256x784xi1>, vector<256x784xi32>
    %reduce_min3A_68 = arith.constant dense<2147483647> : vector<256xi32>
    %reduce_min3A_69 = vector.multi_reduction <minsi>, %select_n3A_67, %reduce_min3A_68 [1] : vector<256x784xi32> to vector<256xi32>
    %broadcast_in_dim3A_70 = vector.shape_cast %reduce_min3A_69 : vector<256xi32> to vector<256x1xi32>
    %eq3A_71 = vector.broadcast %broadcast_in_dim3A_70 : vector<256x1xi32> to vector<256x784xi32>
    %eq3A_72 = arith.cmpi eq, %iota3A, %eq3A_71 : vector<256x784xi32>
    %jit3A_73 = arith.constant 0xFF800000 : f32
    %broadcast_in_dim3A_74 = vector.broadcast %jit3A_73 : f32 to vector<256x784xf32>
    %select_n3A_75 = arith.select %eq3A_72, %broadcast_in_dim3A_74, %select_n3A_59 : vector<256x784xi1>, vector<256x784xf32>
    %reduce_max3A_76 = arith.constant dense<0xFF800000> : vector<256xf32>
    %reduce_max3A_77 = vector.multi_reduction <maximumf>, %select_n3A_75, %reduce_max3A_76 [1] : vector<256x784xf32> to vector<256xf32>
    %broadcast_in_dim3A_78 = vector.shape_cast %reduce_max3A_77 : vector<256xf32> to vector<256x1xf32>
    %eq3A_79 = vector.broadcast %broadcast_in_dim3A_78 : vector<256x1xf32> to vector<256x784xf32>
    %eq3A_80 = arith.cmpf oeq, %select_n3A_75, %eq3A_79 : vector<256x784xf32>
    %jit3A_81 = arith.constant 1073741824 : i32
    %broadcast_in_dim3A_82 = vector.broadcast %jit3A_81 : i32 to vector<256x784xi32>
    %select_n3A_83 = arith.select %eq3A_80, %iota3A, %broadcast_in_dim3A_82 : vector<256x784xi1>, vector<256x784xi32>
    %reduce_min3A_84 = arith.constant dense<2147483647> : vector<256xi32>
    %reduce_min3A_85 = vector.multi_reduction <minsi>, %select_n3A_83, %reduce_min3A_84 [1] : vector<256x784xi32> to vector<256xi32>
    %broadcast_in_dim3A_86 = vector.shape_cast %reduce_min3A_85 : vector<256xi32> to vector<256x1xi32>
    %eq3A_87 = vector.broadcast %broadcast_in_dim3A_86 : vector<256x1xi32> to vector<256x784xi32>
    %eq3A_88 = arith.cmpi eq, %iota3A, %eq3A_87 : vector<256x784xi32>
    %jit3A_89 = arith.constant 0xFF800000 : f32
    %broadcast_in_dim3A_90 = vector.broadcast %jit3A_89 : f32 to vector<256x784xf32>
    %select_n3A_91 = arith.select %eq3A_88, %broadcast_in_dim3A_90, %select_n3A_75 : vector<256x784xi1>, vector<256x784xf32>
    %reduce_max3A_92 = arith.constant dense<0xFF800000> : vector<256xf32>
    %reduce_max3A_93 = vector.multi_reduction <maximumf>, %select_n3A_91, %reduce_max3A_92 [1] : vector<256x784xf32> to vector<256xf32>
    %broadcast_in_dim3A_94 = vector.shape_cast %reduce_max3A_93 : vector<256xf32> to vector<256x1xf32>
    %eq3A_95 = vector.broadcast %broadcast_in_dim3A_94 : vector<256x1xf32> to vector<256x784xf32>
    %eq3A_96 = arith.cmpf oeq, %select_n3A_91, %eq3A_95 : vector<256x784xf32>
    %jit3A_97 = arith.constant 1073741824 : i32
    %broadcast_in_dim3A_98 = vector.broadcast %jit3A_97 : i32 to vector<256x784xi32>
    %select_n3A_99 = arith.select %eq3A_96, %iota3A, %broadcast_in_dim3A_98 : vector<256x784xi1>, vector<256x784xi32>
    %reduce_min3A_100 = arith.constant dense<2147483647> : vector<256xi32>
    %reduce_min3A_101 = vector.multi_reduction <minsi>, %select_n3A_99, %reduce_min3A_100 [1] : vector<256x784xi32> to vector<256xi32>
    %broadcast_in_dim3A_102 = vector.shape_cast %reduce_min3A_101 : vector<256xi32> to vector<256x1xi32>
    %eq3A_103 = vector.broadcast %broadcast_in_dim3A_102 : vector<256x1xi32> to vector<256x784xi32>
    %eq3A_104 = arith.cmpi eq, %iota3A, %eq3A_103 : vector<256x784xi32>
    %jit3A_105 = arith.constant 0xFF800000 : f32
    %broadcast_in_dim3A_106 = vector.broadcast %jit3A_105 : f32 to vector<256x784xf32>
    %select_n3A_107 = arith.select %eq3A_104, %broadcast_in_dim3A_106, %select_n3A_91 : vector<256x784xi1>, vector<256x784xf32>
    %reduce_max3A_108 = arith.constant dense<0xFF800000> : vector<256xf32>
    %reduce_max3A_109 = vector.multi_reduction <maximumf>, %select_n3A_107, %reduce_max3A_108 [1] : vector<256x784xf32> to vector<256xf32>
    %broadcast_in_dim3A_110 = vector.shape_cast %reduce_max3A_109 : vector<256xf32> to vector<256x1xf32>
    %eq3A_111 = vector.broadcast %broadcast_in_dim3A_110 : vector<256x1xf32> to vector<256x784xf32>
    %eq3A_112 = arith.cmpf oeq, %select_n3A_107, %eq3A_111 : vector<256x784xf32>
    %jit3A_113 = arith.constant 1073741824 : i32
    %broadcast_in_dim3A_114 = vector.broadcast %jit3A_113 : i32 to vector<256x784xi32>
    %select_n3A_115 = arith.select %eq3A_112, %iota3A, %broadcast_in_dim3A_114 : vector<256x784xi1>, vector<256x784xi32>
    %reduce_min3A_116 = arith.constant dense<2147483647> : vector<256xi32>
    %reduce_min3A_117 = vector.multi_reduction <minsi>, %select_n3A_115, %reduce_min3A_116 [1] : vector<256x784xi32> to vector<256xi32>
    %broadcast_in_dim3A_118 = vector.shape_cast %reduce_min3A_117 : vector<256xi32> to vector<256x1xi32>
    %eq3A_119 = vector.broadcast %broadcast_in_dim3A_118 : vector<256x1xi32> to vector<256x784xi32>
    %eq3A_120 = arith.cmpi eq, %iota3A, %eq3A_119 : vector<256x784xi32>
    %jit3A_121 = arith.constant 0xFF800000 : f32
    %broadcast_in_dim3A_122 = vector.broadcast %jit3A_121 : f32 to vector<256x784xf32>
    %select_n3A_123 = arith.select %eq3A_120, %broadcast_in_dim3A_122, %select_n3A_107 : vector<256x784xi1>, vector<256x784xf32>
    %reduce_max3A_124 = arith.constant dense<0xFF800000> : vector<256xf32>
    %reduce_max3A_125 = vector.multi_reduction <maximumf>, %select_n3A_123, %reduce_max3A_124 [1] : vector<256x784xf32> to vector<256xf32>
    %broadcast_in_dim3A_126 = vector.shape_cast %reduce_max3A_125 : vector<256xf32> to vector<256x1xf32>
    %eq3A_127 = vector.broadcast %broadcast_in_dim3A_126 : vector<256x1xf32> to vector<256x784xf32>
    %eq3A_128 = arith.cmpf oeq, %select_n3A_123, %eq3A_127 : vector<256x784xf32>
    %jit3A_129 = arith.constant 1073741824 : i32
    %broadcast_in_dim3A_130 = vector.broadcast %jit3A_129 : i32 to vector<256x784xi32>
    %select_n3A_131 = arith.select %eq3A_128, %iota3A, %broadcast_in_dim3A_130 : vector<256x784xi1>, vector<256x784xi32>
    %reduce_min3A_132 = arith.constant dense<2147483647> : vector<256xi32>
    %reduce_min3A_133 = vector.multi_reduction <minsi>, %select_n3A_131, %reduce_min3A_132 [1] : vector<256x784xi32> to vector<256xi32>
    %broadcast_in_dim3A_134 = vector.shape_cast %reduce_min3A_133 : vector<256xi32> to vector<256x1xi32>
    %eq3A_135 = vector.broadcast %broadcast_in_dim3A_134 : vector<256x1xi32> to vector<256x784xi32>
    %eq3A_136 = arith.cmpi eq, %iota3A, %eq3A_135 : vector<256x784xi32>
    %jit3A_137 = arith.constant 0xFF800000 : f32
    %broadcast_in_dim3A_138 = vector.broadcast %jit3A_137 : f32 to vector<256x784xf32>
    %select_n3A_139 = arith.select %eq3A_136, %broadcast_in_dim3A_138, %select_n3A_123 : vector<256x784xi1>, vector<256x784xf32>
    %reduce_max3A_140 = arith.constant dense<0xFF800000> : vector<256xf32>
    %reduce_max3A_141 = vector.multi_reduction <maximumf>, %select_n3A_139, %reduce_max3A_140 [1] : vector<256x784xf32> to vector<256xf32>
    %broadcast_in_dim3A_142 = vector.shape_cast %reduce_max3A_141 : vector<256xf32> to vector<256x1xf32>
    %eq3A_143 = vector.broadcast %broadcast_in_dim3A_142 : vector<256x1xf32> to vector<256x784xf32>
    %eq3A_144 = arith.cmpf oeq, %select_n3A_139, %eq3A_143 : vector<256x784xf32>
    %jit3A_145 = arith.constant 1073741824 : i32
    %broadcast_in_dim3A_146 = vector.broadcast %jit3A_145 : i32 to vector<256x784xi32>
    %select_n3A_147 = arith.select %eq3A_144, %iota3A, %broadcast_in_dim3A_146 : vector<256x784xi1>, vector<256x784xi32>
    %reduce_min3A_148 = arith.constant dense<2147483647> : vector<256xi32>
    %reduce_min3A_149 = vector.multi_reduction <minsi>, %select_n3A_147, %reduce_min3A_148 [1] : vector<256x784xi32> to vector<256xi32>
    %broadcast_in_dim3A_150 = vector.shape_cast %reduce_min3A_149 : vector<256xi32> to vector<256x1xi32>
    %eq3A_151 = vector.broadcast %broadcast_in_dim3A_150 : vector<256x1xi32> to vector<256x784xi32>
    %eq3A_152 = arith.cmpi eq, %iota3A, %eq3A_151 : vector<256x784xi32>
    %jit3A_153 = arith.constant 0xFF800000 : f32
    %broadcast_in_dim3A_154 = vector.broadcast %jit3A_153 : f32 to vector<256x784xf32>
    %select_n3A_155 = arith.select %eq3A_152, %broadcast_in_dim3A_154, %select_n3A_139 : vector<256x784xi1>, vector<256x784xf32>
    %reduce_max3A_156 = arith.constant dense<0xFF800000> : vector<256xf32>
    %reduce_max3A_157 = vector.multi_reduction <maximumf>, %select_n3A_155, %reduce_max3A_156 [1] : vector<256x784xf32> to vector<256xf32>
    %broadcast_in_dim3A_158 = vector.shape_cast %reduce_max3A_157 : vector<256xf32> to vector<256x1xf32>
    %eq3A_159 = vector.broadcast %broadcast_in_dim3A_158 : vector<256x1xf32> to vector<256x784xf32>
    %eq3A_160 = arith.cmpf oeq, %select_n3A_155, %eq3A_159 : vector<256x784xf32>
    %jit3A_161 = arith.constant 1073741824 : i32
    %broadcast_in_dim3A_162 = vector.broadcast %jit3A_161 : i32 to vector<256x784xi32>
    %select_n3A_163 = arith.select %eq3A_160, %iota3A, %broadcast_in_dim3A_162 : vector<256x784xi1>, vector<256x784xi32>
    %reduce_min3A_164 = arith.constant dense<2147483647> : vector<256xi32>
    %reduce_min3A_165 = vector.multi_reduction <minsi>, %select_n3A_163, %reduce_min3A_164 [1] : vector<256x784xi32> to vector<256xi32>
    %broadcast_in_dim3A_166 = vector.shape_cast %reduce_min3A_165 : vector<256xi32> to vector<256x1xi32>
    %eq3A_167 = vector.broadcast %broadcast_in_dim3A_166 : vector<256x1xi32> to vector<256x784xi32>
    %eq3A_168 = arith.cmpi eq, %iota3A, %eq3A_167 : vector<256x784xi32>
    %jit3A_169 = arith.constant 0xFF800000 : f32
    %broadcast_in_dim3A_170 = vector.broadcast %jit3A_169 : f32 to vector<256x784xf32>
    %select_n3A_171 = arith.select %eq3A_168, %broadcast_in_dim3A_170, %select_n3A_155 : vector<256x784xi1>, vector<256x784xf32>
    %reduce_max3A_172 = arith.constant dense<0xFF800000> : vector<256xf32>
    %reduce_max3A_173 = vector.multi_reduction <maximumf>, %select_n3A_171, %reduce_max3A_172 [1] : vector<256x784xf32> to vector<256xf32>
    %broadcast_in_dim3A_174 = vector.shape_cast %reduce_max3A_173 : vector<256xf32> to vector<256x1xf32>
    %eq3A_175 = vector.broadcast %broadcast_in_dim3A_174 : vector<256x1xf32> to vector<256x784xf32>
    %eq3A_176 = arith.cmpf oeq, %select_n3A_171, %eq3A_175 : vector<256x784xf32>
    %jit3A_177 = arith.constant 1073741824 : i32
    %broadcast_in_dim3A_178 = vector.broadcast %jit3A_177 : i32 to vector<256x784xi32>
    %select_n3A_179 = arith.select %eq3A_176, %iota3A, %broadcast_in_dim3A_178 : vector<256x784xi1>, vector<256x784xi32>
    %reduce_min3A_180 = arith.constant dense<2147483647> : vector<256xi32>
    %reduce_min3A_181 = vector.multi_reduction <minsi>, %select_n3A_179, %reduce_min3A_180 [1] : vector<256x784xi32> to vector<256xi32>
    %broadcast_in_dim3A_182 = vector.shape_cast %reduce_min3A_181 : vector<256xi32> to vector<256x1xi32>
    %eq3A_183 = vector.broadcast %broadcast_in_dim3A_182 : vector<256x1xi32> to vector<256x784xi32>
    %eq3A_184 = arith.cmpi eq, %iota3A, %eq3A_183 : vector<256x784xi32>
    %jit3A_185 = arith.constant 0xFF800000 : f32
    %broadcast_in_dim3A_186 = vector.broadcast %jit3A_185 : f32 to vector<256x784xf32>
    %select_n3A_187 = arith.select %eq3A_184, %broadcast_in_dim3A_186, %select_n3A_171 : vector<256x784xi1>, vector<256x784xf32>
    %reduce_max3A_188 = arith.constant dense<0xFF800000> : vector<256xf32>
    %reduce_max3A_189 = vector.multi_reduction <maximumf>, %select_n3A_187, %reduce_max3A_188 [1] : vector<256x784xf32> to vector<256xf32>
    %broadcast_in_dim3A_190 = vector.shape_cast %reduce_max3A_189 : vector<256xf32> to vector<256x1xf32>
    %eq3A_191 = vector.broadcast %broadcast_in_dim3A_190 : vector<256x1xf32> to vector<256x784xf32>
    %eq3A_192 = arith.cmpf oeq, %select_n3A_187, %eq3A_191 : vector<256x784xf32>
    %jit3A_193 = arith.constant 1073741824 : i32
    %broadcast_in_dim3A_194 = vector.broadcast %jit3A_193 : i32 to vector<256x784xi32>
    %select_n3A_195 = arith.select %eq3A_192, %iota3A, %broadcast_in_dim3A_194 : vector<256x784xi1>, vector<256x784xi32>
    %reduce_min3A_196 = arith.constant dense<2147483647> : vector<256xi32>
    %reduce_min3A_197 = vector.multi_reduction <minsi>, %select_n3A_195, %reduce_min3A_196 [1] : vector<256x784xi32> to vector<256xi32>
    %broadcast_in_dim3A_198 = vector.shape_cast %reduce_min3A_197 : vector<256xi32> to vector<256x1xi32>
    %eq3A_199 = vector.broadcast %broadcast_in_dim3A_198 : vector<256x1xi32> to vector<256x784xi32>
    %eq3A_200 = arith.cmpi eq, %iota3A, %eq3A_199 : vector<256x784xi32>
    %jit3A_201 = arith.constant 0xFF800000 : f32
    %broadcast_in_dim3A_202 = vector.broadcast %jit3A_201 : f32 to vector<256x784xf32>
    %select_n3A_203 = arith.select %eq3A_200, %broadcast_in_dim3A_202, %select_n3A_187 : vector<256x784xi1>, vector<256x784xf32>
    %reduce_max3A_204 = arith.constant dense<0xFF800000> : vector<256xf32>
    %reduce_max3A_205 = vector.multi_reduction <maximumf>, %select_n3A_203, %reduce_max3A_204 [1] : vector<256x784xf32> to vector<256xf32>
    %broadcast_in_dim3A_206 = vector.shape_cast %reduce_max3A_205 : vector<256xf32> to vector<256x1xf32>
    %eq3A_207 = vector.broadcast %broadcast_in_dim3A_206 : vector<256x1xf32> to vector<256x784xf32>
    %eq3A_208 = arith.cmpf oeq, %select_n3A_203, %eq3A_207 : vector<256x784xf32>
    %jit3A_209 = arith.constant 1073741824 : i32
    %broadcast_in_dim3A_210 = vector.broadcast %jit3A_209 : i32 to vector<256x784xi32>
    %select_n3A_211 = arith.select %eq3A_208, %iota3A, %broadcast_in_dim3A_210 : vector<256x784xi1>, vector<256x784xi32>
    %reduce_min3A_212 = arith.constant dense<2147483647> : vector<256xi32>
    %reduce_min3A_213 = vector.multi_reduction <minsi>, %select_n3A_211, %reduce_min3A_212 [1] : vector<256x784xi32> to vector<256xi32>
    %broadcast_in_dim3A_214 = vector.shape_cast %reduce_min3A_213 : vector<256xi32> to vector<256x1xi32>
    %eq3A_215 = vector.broadcast %broadcast_in_dim3A_214 : vector<256x1xi32> to vector<256x784xi32>
    %eq3A_216 = arith.cmpi eq, %iota3A, %eq3A_215 : vector<256x784xi32>
    %jit3A_217 = arith.constant 0xFF800000 : f32
    %broadcast_in_dim3A_218 = vector.broadcast %jit3A_217 : f32 to vector<256x784xf32>
    %select_n3A_219 = arith.select %eq3A_216, %broadcast_in_dim3A_218, %select_n3A_203 : vector<256x784xi1>, vector<256x784xf32>
    %reduce_max3A_220 = arith.constant dense<0xFF800000> : vector<256xf32>
    %reduce_max3A_221 = vector.multi_reduction <maximumf>, %select_n3A_219, %reduce_max3A_220 [1] : vector<256x784xf32> to vector<256xf32>
    %broadcast_in_dim3A_222 = vector.shape_cast %reduce_max3A_221 : vector<256xf32> to vector<256x1xf32>
    %eq3A_223 = vector.broadcast %broadcast_in_dim3A_222 : vector<256x1xf32> to vector<256x784xf32>
    %eq3A_224 = arith.cmpf oeq, %select_n3A_219, %eq3A_223 : vector<256x784xf32>
    %jit3A_225 = arith.constant 1073741824 : i32
    %broadcast_in_dim3A_226 = vector.broadcast %jit3A_225 : i32 to vector<256x784xi32>
    %select_n3A_227 = arith.select %eq3A_224, %iota3A, %broadcast_in_dim3A_226 : vector<256x784xi1>, vector<256x784xi32>
    %reduce_min3A_228 = arith.constant dense<2147483647> : vector<256xi32>
    %reduce_min3A_229 = vector.multi_reduction <minsi>, %select_n3A_227, %reduce_min3A_228 [1] : vector<256x784xi32> to vector<256xi32>
    %broadcast_in_dim3A_230 = vector.shape_cast %reduce_min3A_229 : vector<256xi32> to vector<256x1xi32>
    %eq3A_231 = vector.broadcast %broadcast_in_dim3A_230 : vector<256x1xi32> to vector<256x784xi32>
    %eq3A_232 = arith.cmpi eq, %iota3A, %eq3A_231 : vector<256x784xi32>
    %jit3A_233 = arith.constant 0xFF800000 : f32
    %broadcast_in_dim3A_234 = vector.broadcast %jit3A_233 : f32 to vector<256x784xf32>
    %select_n3A_235 = arith.select %eq3A_232, %broadcast_in_dim3A_234, %select_n3A_219 : vector<256x784xi1>, vector<256x784xf32>
    %reduce_max3A_236 = arith.constant dense<0xFF800000> : vector<256xf32>
    %reduce_max3A_237 = vector.multi_reduction <maximumf>, %select_n3A_235, %reduce_max3A_236 [1] : vector<256x784xf32> to vector<256xf32>
    %broadcast_in_dim3A_238 = vector.shape_cast %reduce_max3A_237 : vector<256xf32> to vector<256x1xf32>
    %eq3A_239 = vector.broadcast %broadcast_in_dim3A_238 : vector<256x1xf32> to vector<256x784xf32>
    %eq3A_240 = arith.cmpf oeq, %select_n3A_235, %eq3A_239 : vector<256x784xf32>
    %jit3A_241 = arith.constant 1073741824 : i32
    %broadcast_in_dim3A_242 = vector.broadcast %jit3A_241 : i32 to vector<256x784xi32>
    %select_n3A_243 = arith.select %eq3A_240, %iota3A, %broadcast_in_dim3A_242 : vector<256x784xi1>, vector<256x784xi32>
    %reduce_min3A_244 = arith.constant dense<2147483647> : vector<256xi32>
    %reduce_min3A_245 = vector.multi_reduction <minsi>, %select_n3A_243, %reduce_min3A_244 [1] : vector<256x784xi32> to vector<256xi32>
    %broadcast_in_dim3A_246 = vector.shape_cast %reduce_min3A_245 : vector<256xi32> to vector<256x1xi32>
    %concatenate3A = tpu.concatenate %broadcast_in_dim3A_6, %broadcast_in_dim3A_22, %broadcast_in_dim3A_38, %broadcast_in_dim3A_54, %broadcast_in_dim3A_70, %broadcast_in_dim3A_86, %broadcast_in_dim3A_102, %broadcast_in_dim3A_118, %broadcast_in_dim3A_134, %broadcast_in_dim3A_150, %broadcast_in_dim3A_166, %broadcast_in_dim3A_182, %broadcast_in_dim3A_198, %broadcast_in_dim3A_214, %broadcast_in_dim3A_230, %broadcast_in_dim3A_246 in 1 : vector<256x1xi32>, vector<256x1xi32>, vector<256x1xi32>, vector<256x1xi32>, vector<256x1xi32>, vector<256x1xi32>, vector<256x1xi32>, vector<256x1xi32>, vector<256x1xi32>, vector<256x1xi32>, vector<256x1xi32>, vector<256x1xi32>, vector<256x1xi32>, vector<256x1xi32>, vector<256x1xi32>, vector<256x1xi32> -> vector<256x16xi32>
    %swap3A = arith.constant 0 : index
    %swap3A_247 = arith.constant 0 : index
    %swap3A_248 = vector.load %arg2[%swap3A, %swap3A_247] : memref<256x16xi32, #tpu.memory_space<vmem>>, vector<256x16xi32>
    tpu.vector_store %arg2[%swap3A, %swap3A_247], %concatenate3A {strides = array<i32>} : memref<256x16xi32, #tpu.memory_space<vmem>>, vector<256x16xi32>,
    %iota3A_249 = tpu.iota {dimensions = array<i32: 0>} : vector<256x16xi32>
    %mul3A = arith.constant 256 : i32
    %mul3A_250 = arith.muli %arg0, %mul3A : i32
    %add3A = vector.broadcast %mul3A_250 : i32 to vector<256x16xi32>
    %add3A_251 = arith.addi %iota3A_249, %add3A : vector<256x16xi32>
    %mul3A_252 = arith.constant 784 : i32
    %mul3A_253 = vector.broadcast %mul3A_252 : i32 to vector<256x16xi32>
    %mul3A_254 = arith.muli %add3A_251, %mul3A_253 : vector<256x16xi32>
    %add3A_255 = arith.addi %mul3A_254, %concatenate3A : vector<256x16xi32>
    %swap3A_256 = arith.constant 0 : index
    %swap3A_257 = arith.constant 0 : index
    %swap3A_258 = vector.load %arg3[%swap3A_256, %swap3A_257] : memref<256x16xi32, #tpu.memory_space<vmem>>, vector<256x16xi32>
    tpu.vector_store %arg3[%swap3A_256, %swap3A_257], %add3A_255 {strides = array<i32>} : memref<256x16xi32, #tpu.memory_space<vmem>>, vector<256x16xi32>,
    return
  }
  func.func @transform_0(%arg0: i32) -> (i32, i32) {
    %c0_i32 = arith.constant 0 : i32
    %c0_i32_0 = arith.constant 0 : i32
    return %arg0, %c0_i32 : i32, i32
  }
  func.func @transform_1(%arg0: i32) -> (i32, i32) {
    %c0_i32 = arith.constant 0 : i32
    %c0_i32_0 = arith.constant 0 : i32
    return %arg0, %c0_i32 : i32, i32
  }
  func.func @transform_2(%arg0: i32) -> (i32, i32) {
    %c0_i32 = arith.constant 0 : i32
    %c0_i32_0 = arith.constant 0 : i32
    return %arg0, %c0_i32 : i32, i32
  }
}

module attributes {stable_mosaic.version = 14 : i64} {
  func.func @_final_topk_body(%arg0: i32, %arg1: memref<256x2048xf32, #tpu.memory_space<vmem>>, %arg2: memref<256x16xi32, #tpu.memory_space<vmem>>, %arg3: memref<256x16xf32, #tpu.memory_space<vmem>>, %arg4: memref<256x16xi32, #tpu.memory_space<vmem>>, %arg5: memref<256x16xi32, #tpu.memory_space<vmem>>, %arg6: memref<256x16xi32, #tpu.memory_space<vmem>>, %arg7: memref<8x128xf32, #tpu.memory_space<vmem>>) attributes {dimension_semantics = [#tpu.dimension_semantics<arbitrary>], iteration_bounds = array<i64: 4>, scalar_prefetch = 0 : i64, scratch_operands = 0 : i64, tpu.core_type = #tpu.core_type<tc>, window_params = [{transform_indices = @transform_0, window_bounds = array<i64: 256, 2048>}, {transform_indices = @transform_1, window_bounds = array<i64: 256, 16>}, {transform_indices = @transform_2, window_bounds = array<i64: 256, 16>}, {transform_indices = @transform_3, window_bounds = array<i64: 256, 16>}, {transform_indices = @transform_4, window_bounds = array<i64: 256, 16>}, {transform_indices = @transform_5, window_bounds = array<i64: 256, 16>}, {pipeline_mode = #tpu.pipeline_mode<synchronous>, transform_indices = @transform_6, window_bounds = array<i64: 8, 128>}]} {
    %get3A = arith.constant 0 : index
    %get3A_0 = arith.constant 0 : index
    %get3A_1 = vector.load %arg1[%get3A, %get3A_0] : memref<256x2048xf32, #tpu.memory_space<vmem>>, vector<256x2048xf32>
    %get3A_2 = arith.constant 0 : index
    %get3A_3 = arith.constant 0 : index
    %get3A_4 = vector.load %arg2[%get3A_2, %get3A_3] : memref<256x16xi32, #tpu.memory_space<vmem>>, vector<256x16xi32>
    %iota3A = tpu.iota {dimensions = array<i32: 1>} : vector<256x2048xi32>
    %shift_right_arithmetic3A = arith.constant 7 : i32
    %shift_right_arithmetic3A_5 = vector.broadcast %shift_right_arithmetic3A : i32 to vector<256x2048xi32>
    %shift_right_arithmetic3A_6 = arith.shrsi %iota3A, %shift_right_arithmetic3A_5 : vector<256x2048xi32>
    %and3A = arith.constant 127 : i32
    %and3A_7 = vector.broadcast %and3A : i32 to vector<256x2048xi32>
    %and3A_8 = arith.andi %iota3A, %and3A_7 : vector<256x2048xi32>
    %broadcast_in_dim3A = arith.constant 0 : i32
    %broadcast_in_dim3A_9 = vector.broadcast %broadcast_in_dim3A : i32 to vector<256x2048xi32>
    %eq3A = arith.constant 0 : i32
    %eq3A_10 = vector.broadcast %eq3A : i32 to vector<256x2048xi32>
    %eq3A_11 = arith.cmpi eq, %shift_right_arithmetic3A_6, %eq3A_10 : vector<256x2048xi32>
    %slice3A = vector.extract_strided_slice %get3A_4 {offsets = [0, 0], sizes = [256, 1], strides = [1, 1]} : vector<256x16xi32> to vector<256x1xi32>
    %jit3A = arith.constant 0 : i32
    %broadcast_in_dim3A_12 = vector.shape_cast %slice3A : vector<256x1xi32> to vector<256x1xi32>
    %broadcast_in_dim3A_13 = vector.broadcast %broadcast_in_dim3A_12 : vector<256x1xi32> to vector<256x2048xi32>
    %broadcast_in_dim3A_14 = vector.broadcast %jit3A : i32 to vector<256x2048xi32>
    %select_n3A = arith.select %eq3A_11, %broadcast_in_dim3A_13, %broadcast_in_dim3A_14 : vector<256x2048xi1>, vector<256x2048xi32>
    %add3A = arith.addi %broadcast_in_dim3A_9, %select_n3A : vector<256x2048xi32>
    %eq3A_15 = arith.constant 1 : i32
    %eq3A_16 = vector.broadcast %eq3A_15 : i32 to vector<256x2048xi32>
    %eq3A_17 = arith.cmpi eq, %shift_right_arithmetic3A_6, %eq3A_16 : vector<256x2048xi32>
    %slice3A_18 = vector.extract_strided_slice %get3A_4 {offsets = [0, 1], sizes = [256, 1], strides = [1, 1]} : vector<256x16xi32> to vector<256x1xi32>
    %jit3A_19 = arith.constant 0 : i32
    %broadcast_in_dim3A_20 = vector.shape_cast %slice3A_18 : vector<256x1xi32> to vector<256x1xi32>
    %broadcast_in_dim3A_21 = vector.broadcast %broadcast_in_dim3A_20 : vector<256x1xi32> to vector<256x2048xi32>
    %broadcast_in_dim3A_22 = vector.broadcast %jit3A_19 : i32 to vector<256x2048xi32>
    %select_n3A_23 = arith.select %eq3A_17, %broadcast_in_dim3A_21, %broadcast_in_dim3A_22 : vector<256x2048xi1>, vector<256x2048xi32>
    %add3A_24 = arith.addi %add3A, %select_n3A_23 : vector<256x2048xi32>
    %eq3A_25 = arith.constant 2 : i32
    %eq3A_26 = vector.broadcast %eq3A_25 : i32 to vector<256x2048xi32>
    %eq3A_27 = arith.cmpi eq, %shift_right_arithmetic3A_6, %eq3A_26 : vector<256x2048xi32>
    %slice3A_28 = vector.extract_strided_slice %get3A_4 {offsets = [0, 2], sizes = [256, 1], strides = [1, 1]} : vector<256x16xi32> to vector<256x1xi32>
    %jit3A_29 = arith.constant 0 : i32
    %broadcast_in_dim3A_30 = vector.shape_cast %slice3A_28 : vector<256x1xi32> to vector<256x1xi32>
    %broadcast_in_dim3A_31 = vector.broadcast %broadcast_in_dim3A_30 : vector<256x1xi32> to vector<256x2048xi32>
    %broadcast_in_dim3A_32 = vector.broadcast %jit3A_29 : i32 to vector<256x2048xi32>
    %select_n3A_33 = arith.select %eq3A_27, %broadcast_in_dim3A_31, %broadcast_in_dim3A_32 : vector<256x2048xi1>, vector<256x2048xi32>
    %add3A_34 = arith.addi %add3A_24, %select_n3A_33 : vector<256x2048xi32>
    %eq3A_35 = arith.constant 3 : i32
    %eq3A_36 = vector.broadcast %eq3A_35 : i32 to vector<256x2048xi32>
    %eq3A_37 = arith.cmpi eq, %shift_right_arithmetic3A_6, %eq3A_36 : vector<256x2048xi32>
    %slice3A_38 = vector.extract_strided_slice %get3A_4 {offsets = [0, 3], sizes = [256, 1], strides = [1, 1]} : vector<256x16xi32> to vector<256x1xi32>
    %jit3A_39 = arith.constant 0 : i32
    %broadcast_in_dim3A_40 = vector.shape_cast %slice3A_38 : vector<256x1xi32> to vector<256x1xi32>
    %broadcast_in_dim3A_41 = vector.broadcast %broadcast_in_dim3A_40 : vector<256x1xi32> to vector<256x2048xi32>
    %broadcast_in_dim3A_42 = vector.broadcast %jit3A_39 : i32 to vector<256x2048xi32>
    %select_n3A_43 = arith.select %eq3A_37, %broadcast_in_dim3A_41, %broadcast_in_dim3A_42 : vector<256x2048xi1>, vector<256x2048xi32>
    %add3A_44 = arith.addi %add3A_34, %select_n3A_43 : vector<256x2048xi32>
    %eq3A_45 = arith.constant 4 : i32
    %eq3A_46 = vector.broadcast %eq3A_45 : i32 to vector<256x2048xi32>
    %eq3A_47 = arith.cmpi eq, %shift_right_arithmetic3A_6, %eq3A_46 : vector<256x2048xi32>
    %slice3A_48 = vector.extract_strided_slice %get3A_4 {offsets = [0, 4], sizes = [256, 1], strides = [1, 1]} : vector<256x16xi32> to vector<256x1xi32>
    %jit3A_49 = arith.constant 0 : i32
    %broadcast_in_dim3A_50 = vector.shape_cast %slice3A_48 : vector<256x1xi32> to vector<256x1xi32>
    %broadcast_in_dim3A_51 = vector.broadcast %broadcast_in_dim3A_50 : vector<256x1xi32> to vector<256x2048xi32>
    %broadcast_in_dim3A_52 = vector.broadcast %jit3A_49 : i32 to vector<256x2048xi32>
    %select_n3A_53 = arith.select %eq3A_47, %broadcast_in_dim3A_51, %broadcast_in_dim3A_52 : vector<256x2048xi1>, vector<256x2048xi32>
    %add3A_54 = arith.addi %add3A_44, %select_n3A_53 : vector<256x2048xi32>
    %eq3A_55 = arith.constant 5 : i32
    %eq3A_56 = vector.broadcast %eq3A_55 : i32 to vector<256x2048xi32>
    %eq3A_57 = arith.cmpi eq, %shift_right_arithmetic3A_6, %eq3A_56 : vector<256x2048xi32>
    %slice3A_58 = vector.extract_strided_slice %get3A_4 {offsets = [0, 5], sizes = [256, 1], strides = [1, 1]} : vector<256x16xi32> to vector<256x1xi32>
    %jit3A_59 = arith.constant 0 : i32
    %broadcast_in_dim3A_60 = vector.shape_cast %slice3A_58 : vector<256x1xi32> to vector<256x1xi32>
    %broadcast_in_dim3A_61 = vector.broadcast %broadcast_in_dim3A_60 : vector<256x1xi32> to vector<256x2048xi32>
    %broadcast_in_dim3A_62 = vector.broadcast %jit3A_59 : i32 to vector<256x2048xi32>
    %select_n3A_63 = arith.select %eq3A_57, %broadcast_in_dim3A_61, %broadcast_in_dim3A_62 : vector<256x2048xi1>, vector<256x2048xi32>
    %add3A_64 = arith.addi %add3A_54, %select_n3A_63 : vector<256x2048xi32>
    %eq3A_65 = arith.constant 6 : i32
    %eq3A_66 = vector.broadcast %eq3A_65 : i32 to vector<256x2048xi32>
    %eq3A_67 = arith.cmpi eq, %shift_right_arithmetic3A_6, %eq3A_66 : vector<256x2048xi32>
    %slice3A_68 = vector.extract_strided_slice %get3A_4 {offsets = [0, 6], sizes = [256, 1], strides = [1, 1]} : vector<256x16xi32> to vector<256x1xi32>
    %jit3A_69 = arith.constant 0 : i32
    %broadcast_in_dim3A_70 = vector.shape_cast %slice3A_68 : vector<256x1xi32> to vector<256x1xi32>
    %broadcast_in_dim3A_71 = vector.broadcast %broadcast_in_dim3A_70 : vector<256x1xi32> to vector<256x2048xi32>
    %broadcast_in_dim3A_72 = vector.broadcast %jit3A_69 : i32 to vector<256x2048xi32>
    %select_n3A_73 = arith.select %eq3A_67, %broadcast_in_dim3A_71, %broadcast_in_dim3A_72 : vector<256x2048xi1>, vector<256x2048xi32>
    %add3A_74 = arith.addi %add3A_64, %select_n3A_73 : vector<256x2048xi32>
    %eq3A_75 = arith.constant 7 : i32
    %eq3A_76 = vector.broadcast %eq3A_75 : i32 to vector<256x2048xi32>
    %eq3A_77 = arith.cmpi eq, %shift_right_arithmetic3A_6, %eq3A_76 : vector<256x2048xi32>
    %slice3A_78 = vector.extract_strided_slice %get3A_4 {offsets = [0, 7], sizes = [256, 1], strides = [1, 1]} : vector<256x16xi32> to vector<256x1xi32>
    %jit3A_79 = arith.constant 0 : i32
    %broadcast_in_dim3A_80 = vector.shape_cast %slice3A_78 : vector<256x1xi32> to vector<256x1xi32>
    %broadcast_in_dim3A_81 = vector.broadcast %broadcast_in_dim3A_80 : vector<256x1xi32> to vector<256x2048xi32>
    %broadcast_in_dim3A_82 = vector.broadcast %jit3A_79 : i32 to vector<256x2048xi32>
    %select_n3A_83 = arith.select %eq3A_77, %broadcast_in_dim3A_81, %broadcast_in_dim3A_82 : vector<256x2048xi1>, vector<256x2048xi32>
    %add3A_84 = arith.addi %add3A_74, %select_n3A_83 : vector<256x2048xi32>
    %eq3A_85 = arith.constant 8 : i32
    %eq3A_86 = vector.broadcast %eq3A_85 : i32 to vector<256x2048xi32>
    %eq3A_87 = arith.cmpi eq, %shift_right_arithmetic3A_6, %eq3A_86 : vector<256x2048xi32>
    %slice3A_88 = vector.extract_strided_slice %get3A_4 {offsets = [0, 8], sizes = [256, 1], strides = [1, 1]} : vector<256x16xi32> to vector<256x1xi32>
    %jit3A_89 = arith.constant 0 : i32
    %broadcast_in_dim3A_90 = vector.shape_cast %slice3A_88 : vector<256x1xi32> to vector<256x1xi32>
    %broadcast_in_dim3A_91 = vector.broadcast %broadcast_in_dim3A_90 : vector<256x1xi32> to vector<256x2048xi32>
    %broadcast_in_dim3A_92 = vector.broadcast %jit3A_89 : i32 to vector<256x2048xi32>
    %select_n3A_93 = arith.select %eq3A_87, %broadcast_in_dim3A_91, %broadcast_in_dim3A_92 : vector<256x2048xi1>, vector<256x2048xi32>
    %add3A_94 = arith.addi %add3A_84, %select_n3A_93 : vector<256x2048xi32>
    %eq3A_95 = arith.constant 9 : i32
    %eq3A_96 = vector.broadcast %eq3A_95 : i32 to vector<256x2048xi32>
    %eq3A_97 = arith.cmpi eq, %shift_right_arithmetic3A_6, %eq3A_96 : vector<256x2048xi32>
    %slice3A_98 = vector.extract_strided_slice %get3A_4 {offsets = [0, 9], sizes = [256, 1], strides = [1, 1]} : vector<256x16xi32> to vector<256x1xi32>
    %jit3A_99 = arith.constant 0 : i32
    %broadcast_in_dim3A_100 = vector.shape_cast %slice3A_98 : vector<256x1xi32> to vector<256x1xi32>
    %broadcast_in_dim3A_101 = vector.broadcast %broadcast_in_dim3A_100 : vector<256x1xi32> to vector<256x2048xi32>
    %broadcast_in_dim3A_102 = vector.broadcast %jit3A_99 : i32 to vector<256x2048xi32>
    %select_n3A_103 = arith.select %eq3A_97, %broadcast_in_dim3A_101, %broadcast_in_dim3A_102 : vector<256x2048xi1>, vector<256x2048xi32>
    %add3A_104 = arith.addi %add3A_94, %select_n3A_103 : vector<256x2048xi32>
    %eq3A_105 = arith.constant 10 : i32
    %eq3A_106 = vector.broadcast %eq3A_105 : i32 to vector<256x2048xi32>
    %eq3A_107 = arith.cmpi eq, %shift_right_arithmetic3A_6, %eq3A_106 : vector<256x2048xi32>
    %slice3A_108 = vector.extract_strided_slice %get3A_4 {offsets = [0, 10], sizes = [256, 1], strides = [1, 1]} : vector<256x16xi32> to vector<256x1xi32>
    %jit3A_109 = arith.constant 0 : i32
    %broadcast_in_dim3A_110 = vector.shape_cast %slice3A_108 : vector<256x1xi32> to vector<256x1xi32>
    %broadcast_in_dim3A_111 = vector.broadcast %broadcast_in_dim3A_110 : vector<256x1xi32> to vector<256x2048xi32>
    %broadcast_in_dim3A_112 = vector.broadcast %jit3A_109 : i32 to vector<256x2048xi32>
    %select_n3A_113 = arith.select %eq3A_107, %broadcast_in_dim3A_111, %broadcast_in_dim3A_112 : vector<256x2048xi1>, vector<256x2048xi32>
    %add3A_114 = arith.addi %add3A_104, %select_n3A_113 : vector<256x2048xi32>
    %eq3A_115 = arith.constant 11 : i32
    %eq3A_116 = vector.broadcast %eq3A_115 : i32 to vector<256x2048xi32>
    %eq3A_117 = arith.cmpi eq, %shift_right_arithmetic3A_6, %eq3A_116 : vector<256x2048xi32>
    %slice3A_118 = vector.extract_strided_slice %get3A_4 {offsets = [0, 11], sizes = [256, 1], strides = [1, 1]} : vector<256x16xi32> to vector<256x1xi32>
    %jit3A_119 = arith.constant 0 : i32
    %broadcast_in_dim3A_120 = vector.shape_cast %slice3A_118 : vector<256x1xi32> to vector<256x1xi32>
    %broadcast_in_dim3A_121 = vector.broadcast %broadcast_in_dim3A_120 : vector<256x1xi32> to vector<256x2048xi32>
    %broadcast_in_dim3A_122 = vector.broadcast %jit3A_119 : i32 to vector<256x2048xi32>
    %select_n3A_123 = arith.select %eq3A_117, %broadcast_in_dim3A_121, %broadcast_in_dim3A_122 : vector<256x2048xi1>, vector<256x2048xi32>
    %add3A_124 = arith.addi %add3A_114, %select_n3A_123 : vector<256x2048xi32>
    %eq3A_125 = arith.constant 12 : i32
    %eq3A_126 = vector.broadcast %eq3A_125 : i32 to vector<256x2048xi32>
    %eq3A_127 = arith.cmpi eq, %shift_right_arithmetic3A_6, %eq3A_126 : vector<256x2048xi32>
    %slice3A_128 = vector.extract_strided_slice %get3A_4 {offsets = [0, 12], sizes = [256, 1], strides = [1, 1]} : vector<256x16xi32> to vector<256x1xi32>
    %jit3A_129 = arith.constant 0 : i32
    %broadcast_in_dim3A_130 = vector.shape_cast %slice3A_128 : vector<256x1xi32> to vector<256x1xi32>
    %broadcast_in_dim3A_131 = vector.broadcast %broadcast_in_dim3A_130 : vector<256x1xi32> to vector<256x2048xi32>
    %broadcast_in_dim3A_132 = vector.broadcast %jit3A_129 : i32 to vector<256x2048xi32>
    %select_n3A_133 = arith.select %eq3A_127, %broadcast_in_dim3A_131, %broadcast_in_dim3A_132 : vector<256x2048xi1>, vector<256x2048xi32>
    %add3A_134 = arith.addi %add3A_124, %select_n3A_133 : vector<256x2048xi32>
    %eq3A_135 = arith.constant 13 : i32
    %eq3A_136 = vector.broadcast %eq3A_135 : i32 to vector<256x2048xi32>
    %eq3A_137 = arith.cmpi eq, %shift_right_arithmetic3A_6, %eq3A_136 : vector<256x2048xi32>
    %slice3A_138 = vector.extract_strided_slice %get3A_4 {offsets = [0, 13], sizes = [256, 1], strides = [1, 1]} : vector<256x16xi32> to vector<256x1xi32>
    %jit3A_139 = arith.constant 0 : i32
    %broadcast_in_dim3A_140 = vector.shape_cast %slice3A_138 : vector<256x1xi32> to vector<256x1xi32>
    %broadcast_in_dim3A_141 = vector.broadcast %broadcast_in_dim3A_140 : vector<256x1xi32> to vector<256x2048xi32>
    %broadcast_in_dim3A_142 = vector.broadcast %jit3A_139 : i32 to vector<256x2048xi32>
    %select_n3A_143 = arith.select %eq3A_137, %broadcast_in_dim3A_141, %broadcast_in_dim3A_142 : vector<256x2048xi1>, vector<256x2048xi32>
    %add3A_144 = arith.addi %add3A_134, %select_n3A_143 : vector<256x2048xi32>
    %eq3A_145 = arith.constant 14 : i32
    %eq3A_146 = vector.broadcast %eq3A_145 : i32 to vector<256x2048xi32>
    %eq3A_147 = arith.cmpi eq, %shift_right_arithmetic3A_6, %eq3A_146 : vector<256x2048xi32>
    %slice3A_148 = vector.extract_strided_slice %get3A_4 {offsets = [0, 14], sizes = [256, 1], strides = [1, 1]} : vector<256x16xi32> to vector<256x1xi32>
    %jit3A_149 = arith.constant 0 : i32
    %broadcast_in_dim3A_150 = vector.shape_cast %slice3A_148 : vector<256x1xi32> to vector<256x1xi32>
    %broadcast_in_dim3A_151 = vector.broadcast %broadcast_in_dim3A_150 : vector<256x1xi32> to vector<256x2048xi32>
    %broadcast_in_dim3A_152 = vector.broadcast %jit3A_149 : i32 to vector<256x2048xi32>
    %select_n3A_153 = arith.select %eq3A_147, %broadcast_in_dim3A_151, %broadcast_in_dim3A_152 : vector<256x2048xi1>, vector<256x2048xi32>
    %add3A_154 = arith.addi %add3A_144, %select_n3A_153 : vector<256x2048xi32>
    %eq3A_155 = arith.constant 15 : i32
    %eq3A_156 = vector.broadcast %eq3A_155 : i32 to vector<256x2048xi32>
    %eq3A_157 = arith.cmpi eq, %shift_right_arithmetic3A_6, %eq3A_156 : vector<256x2048xi32>
    %slice3A_158 = vector.extract_strided_slice %get3A_4 {offsets = [0, 15], sizes = [256, 1], strides = [1, 1]} : vector<256x16xi32> to vector<256x1xi32>
    %jit3A_159 = arith.constant 0 : i32
    %broadcast_in_dim3A_160 = vector.shape_cast %slice3A_158 : vector<256x1xi32> to vector<256x1xi32>
    %broadcast_in_dim3A_161 = vector.broadcast %broadcast_in_dim3A_160 : vector<256x1xi32> to vector<256x2048xi32>
    %broadcast_in_dim3A_162 = vector.broadcast %jit3A_159 : i32 to vector<256x2048xi32>
    %select_n3A_163 = arith.select %eq3A_157, %broadcast_in_dim3A_161, %broadcast_in_dim3A_162 : vector<256x2048xi1>, vector<256x2048xi32>
    %add3A_164 = arith.addi %add3A_154, %select_n3A_163 : vector<256x2048xi32>
    %mul3A = arith.constant 128 : i32
    %mul3A_165 = vector.broadcast %mul3A : i32 to vector<256x2048xi32>
    %mul3A_166 = arith.muli %add3A_164, %mul3A_165 : vector<256x2048xi32>
    %add3A_167 = arith.addi %mul3A_166, %and3A_8 : vector<256x2048xi32>
    %reduce_max3A = arith.constant dense<0xFF800000> : vector<256xf32>
    %reduce_max3A_168 = vector.multi_reduction <maximumf>, %get3A_1, %reduce_max3A [1] : vector<256x2048xf32> to vector<256xf32>
    %broadcast_in_dim3A_169 = vector.shape_cast %reduce_max3A_168 : vector<256xf32> to vector<256x1xf32>
    %eq3A_170 = vector.broadcast %broadcast_in_dim3A_169 : vector<256x1xf32> to vector<256x2048xf32>
    %eq3A_171 = arith.cmpf oeq, %get3A_1, %eq3A_170 : vector<256x2048xf32>
    %jit3A_172 = arith.constant 1073741824 : i32
    %broadcast_in_dim3A_173 = vector.broadcast %jit3A_172 : i32 to vector<256x2048xi32>
    %select_n3A_174 = arith.select %eq3A_171, %add3A_167, %broadcast_in_dim3A_173 : vector<256x2048xi1>, vector<256x2048xi32>
    %reduce_min3A = arith.constant dense<2147483647> : vector<256xi32>
    %reduce_min3A_175 = vector.multi_reduction <minsi>, %select_n3A_174, %reduce_min3A [1] : vector<256x2048xi32> to vector<256xi32>
    %broadcast_in_dim3A_176 = vector.shape_cast %reduce_min3A_175 : vector<256xi32> to vector<256x1xi32>
    %eq3A_177 = vector.broadcast %broadcast_in_dim3A_176 : vector<256x1xi32> to vector<256x2048xi32>
    %eq3A_178 = arith.cmpi eq, %add3A_167, %eq3A_177 : vector<256x2048xi32>
    %jit3A_179 = arith.constant 0xFF800000 : f32
    %broadcast_in_dim3A_180 = vector.broadcast %jit3A_179 : f32 to vector<256x2048xf32>
    %select_n3A_181 = arith.select %eq3A_178, %broadcast_in_dim3A_180, %get3A_1 : vector<256x2048xi1>, vector<256x2048xf32>
    %reduce_max3A_182 = arith.constant dense<0xFF800000> : vector<256xf32>
    %reduce_max3A_183 = vector.multi_reduction <maximumf>, %select_n3A_181, %reduce_max3A_182 [1] : vector<256x2048xf32> to vector<256xf32>
    %broadcast_in_dim3A_184 = vector.shape_cast %reduce_max3A_183 : vector<256xf32> to vector<256x1xf32>
    %eq3A_185 = vector.broadcast %broadcast_in_dim3A_184 : vector<256x1xf32> to vector<256x2048xf32>
    %eq3A_186 = arith.cmpf oeq, %select_n3A_181, %eq3A_185 : vector<256x2048xf32>
    %jit3A_187 = arith.constant 1073741824 : i32
    %broadcast_in_dim3A_188 = vector.broadcast %jit3A_187 : i32 to vector<256x2048xi32>
    %select_n3A_189 = arith.select %eq3A_186, %add3A_167, %broadcast_in_dim3A_188 : vector<256x2048xi1>, vector<256x2048xi32>
    %reduce_min3A_190 = arith.constant dense<2147483647> : vector<256xi32>
    %reduce_min3A_191 = vector.multi_reduction <minsi>, %select_n3A_189, %reduce_min3A_190 [1] : vector<256x2048xi32> to vector<256xi32>
    %broadcast_in_dim3A_192 = vector.shape_cast %reduce_min3A_191 : vector<256xi32> to vector<256x1xi32>
    %eq3A_193 = vector.broadcast %broadcast_in_dim3A_192 : vector<256x1xi32> to vector<256x2048xi32>
    %eq3A_194 = arith.cmpi eq, %add3A_167, %eq3A_193 : vector<256x2048xi32>
    %jit3A_195 = arith.constant 0xFF800000 : f32
    %broadcast_in_dim3A_196 = vector.broadcast %jit3A_195 : f32 to vector<256x2048xf32>
    %select_n3A_197 = arith.select %eq3A_194, %broadcast_in_dim3A_196, %select_n3A_181 : vector<256x2048xi1>, vector<256x2048xf32>
    %reduce_max3A_198 = arith.constant dense<0xFF800000> : vector<256xf32>
    %reduce_max3A_199 = vector.multi_reduction <maximumf>, %select_n3A_197, %reduce_max3A_198 [1] : vector<256x2048xf32> to vector<256xf32>
    %broadcast_in_dim3A_200 = vector.shape_cast %reduce_max3A_199 : vector<256xf32> to vector<256x1xf32>
    %eq3A_201 = vector.broadcast %broadcast_in_dim3A_200 : vector<256x1xf32> to vector<256x2048xf32>
    %eq3A_202 = arith.cmpf oeq, %select_n3A_197, %eq3A_201 : vector<256x2048xf32>
    %jit3A_203 = arith.constant 1073741824 : i32
    %broadcast_in_dim3A_204 = vector.broadcast %jit3A_203 : i32 to vector<256x2048xi32>
    %select_n3A_205 = arith.select %eq3A_202, %add3A_167, %broadcast_in_dim3A_204 : vector<256x2048xi1>, vector<256x2048xi32>
    %reduce_min3A_206 = arith.constant dense<2147483647> : vector<256xi32>
    %reduce_min3A_207 = vector.multi_reduction <minsi>, %select_n3A_205, %reduce_min3A_206 [1] : vector<256x2048xi32> to vector<256xi32>
    %broadcast_in_dim3A_208 = vector.shape_cast %reduce_min3A_207 : vector<256xi32> to vector<256x1xi32>
    %eq3A_209 = vector.broadcast %broadcast_in_dim3A_208 : vector<256x1xi32> to vector<256x2048xi32>
    %eq3A_210 = arith.cmpi eq, %add3A_167, %eq3A_209 : vector<256x2048xi32>
    %jit3A_211 = arith.constant 0xFF800000 : f32
    %broadcast_in_dim3A_212 = vector.broadcast %jit3A_211 : f32 to vector<256x2048xf32>
    %select_n3A_213 = arith.select %eq3A_210, %broadcast_in_dim3A_212, %select_n3A_197 : vector<256x2048xi1>, vector<256x2048xf32>
    %reduce_max3A_214 = arith.constant dense<0xFF800000> : vector<256xf32>
    %reduce_max3A_215 = vector.multi_reduction <maximumf>, %select_n3A_213, %reduce_max3A_214 [1] : vector<256x2048xf32> to vector<256xf32>
    %broadcast_in_dim3A_216 = vector.shape_cast %reduce_max3A_215 : vector<256xf32> to vector<256x1xf32>
    %eq3A_217 = vector.broadcast %broadcast_in_dim3A_216 : vector<256x1xf32> to vector<256x2048xf32>
    %eq3A_218 = arith.cmpf oeq, %select_n3A_213, %eq3A_217 : vector<256x2048xf32>
    %jit3A_219 = arith.constant 1073741824 : i32
    %broadcast_in_dim3A_220 = vector.broadcast %jit3A_219 : i32 to vector<256x2048xi32>
    %select_n3A_221 = arith.select %eq3A_218, %add3A_167, %broadcast_in_dim3A_220 : vector<256x2048xi1>, vector<256x2048xi32>
    %reduce_min3A_222 = arith.constant dense<2147483647> : vector<256xi32>
    %reduce_min3A_223 = vector.multi_reduction <minsi>, %select_n3A_221, %reduce_min3A_222 [1] : vector<256x2048xi32> to vector<256xi32>
    %broadcast_in_dim3A_224 = vector.shape_cast %reduce_min3A_223 : vector<256xi32> to vector<256x1xi32>
    %eq3A_225 = vector.broadcast %broadcast_in_dim3A_224 : vector<256x1xi32> to vector<256x2048xi32>
    %eq3A_226 = arith.cmpi eq, %add3A_167, %eq3A_225 : vector<256x2048xi32>
    %jit3A_227 = arith.constant 0xFF800000 : f32
    %broadcast_in_dim3A_228 = vector.broadcast %jit3A_227 : f32 to vector<256x2048xf32>
    %select_n3A_229 = arith.select %eq3A_226, %broadcast_in_dim3A_228, %select_n3A_213 : vector<256x2048xi1>, vector<256x2048xf32>
    %reduce_max3A_230 = arith.constant dense<0xFF800000> : vector<256xf32>
    %reduce_max3A_231 = vector.multi_reduction <maximumf>, %select_n3A_229, %reduce_max3A_230 [1] : vector<256x2048xf32> to vector<256xf32>
    %broadcast_in_dim3A_232 = vector.shape_cast %reduce_max3A_231 : vector<256xf32> to vector<256x1xf32>
    %eq3A_233 = vector.broadcast %broadcast_in_dim3A_232 : vector<256x1xf32> to vector<256x2048xf32>
    %eq3A_234 = arith.cmpf oeq, %select_n3A_229, %eq3A_233 : vector<256x2048xf32>
    %jit3A_235 = arith.constant 1073741824 : i32
    %broadcast_in_dim3A_236 = vector.broadcast %jit3A_235 : i32 to vector<256x2048xi32>
    %select_n3A_237 = arith.select %eq3A_234, %add3A_167, %broadcast_in_dim3A_236 : vector<256x2048xi1>, vector<256x2048xi32>
    %reduce_min3A_238 = arith.constant dense<2147483647> : vector<256xi32>
    %reduce_min3A_239 = vector.multi_reduction <minsi>, %select_n3A_237, %reduce_min3A_238 [1] : vector<256x2048xi32> to vector<256xi32>
    %broadcast_in_dim3A_240 = vector.shape_cast %reduce_min3A_239 : vector<256xi32> to vector<256x1xi32>
    %eq3A_241 = vector.broadcast %broadcast_in_dim3A_240 : vector<256x1xi32> to vector<256x2048xi32>
    %eq3A_242 = arith.cmpi eq, %add3A_167, %eq3A_241 : vector<256x2048xi32>
    %jit3A_243 = arith.constant 0xFF800000 : f32
    %broadcast_in_dim3A_244 = vector.broadcast %jit3A_243 : f32 to vector<256x2048xf32>
    %select_n3A_245 = arith.select %eq3A_242, %broadcast_in_dim3A_244, %select_n3A_229 : vector<256x2048xi1>, vector<256x2048xf32>
    %reduce_max3A_246 = arith.constant dense<0xFF800000> : vector<256xf32>
    %reduce_max3A_247 = vector.multi_reduction <maximumf>, %select_n3A_245, %reduce_max3A_246 [1] : vector<256x2048xf32> to vector<256xf32>
    %broadcast_in_dim3A_248 = vector.shape_cast %reduce_max3A_247 : vector<256xf32> to vector<256x1xf32>
    %eq3A_249 = vector.broadcast %broadcast_in_dim3A_248 : vector<256x1xf32> to vector<256x2048xf32>
    %eq3A_250 = arith.cmpf oeq, %select_n3A_245, %eq3A_249 : vector<256x2048xf32>
    %jit3A_251 = arith.constant 1073741824 : i32
    %broadcast_in_dim3A_252 = vector.broadcast %jit3A_251 : i32 to vector<256x2048xi32>
    %select_n3A_253 = arith.select %eq3A_250, %add3A_167, %broadcast_in_dim3A_252 : vector<256x2048xi1>, vector<256x2048xi32>
    %reduce_min3A_254 = arith.constant dense<2147483647> : vector<256xi32>
    %reduce_min3A_255 = vector.multi_reduction <minsi>, %select_n3A_253, %reduce_min3A_254 [1] : vector<256x2048xi32> to vector<256xi32>
    %broadcast_in_dim3A_256 = vector.shape_cast %reduce_min3A_255 : vector<256xi32> to vector<256x1xi32>
    %eq3A_257 = vector.broadcast %broadcast_in_dim3A_256 : vector<256x1xi32> to vector<256x2048xi32>
    %eq3A_258 = arith.cmpi eq, %add3A_167, %eq3A_257 : vector<256x2048xi32>
    %jit3A_259 = arith.constant 0xFF800000 : f32
    %broadcast_in_dim3A_260 = vector.broadcast %jit3A_259 : f32 to vector<256x2048xf32>
    %select_n3A_261 = arith.select %eq3A_258, %broadcast_in_dim3A_260, %select_n3A_245 : vector<256x2048xi1>, vector<256x2048xf32>
    %reduce_max3A_262 = arith.constant dense<0xFF800000> : vector<256xf32>
    %reduce_max3A_263 = vector.multi_reduction <maximumf>, %select_n3A_261, %reduce_max3A_262 [1] : vector<256x2048xf32> to vector<256xf32>
    %broadcast_in_dim3A_264 = vector.shape_cast %reduce_max3A_263 : vector<256xf32> to vector<256x1xf32>
    %eq3A_265 = vector.broadcast %broadcast_in_dim3A_264 : vector<256x1xf32> to vector<256x2048xf32>
    %eq3A_266 = arith.cmpf oeq, %select_n3A_261, %eq3A_265 : vector<256x2048xf32>
    %jit3A_267 = arith.constant 1073741824 : i32
    %broadcast_in_dim3A_268 = vector.broadcast %jit3A_267 : i32 to vector<256x2048xi32>
    %select_n3A_269 = arith.select %eq3A_266, %add3A_167, %broadcast_in_dim3A_268 : vector<256x2048xi1>, vector<256x2048xi32>
    %reduce_min3A_270 = arith.constant dense<2147483647> : vector<256xi32>
    %reduce_min3A_271 = vector.multi_reduction <minsi>, %select_n3A_269, %reduce_min3A_270 [1] : vector<256x2048xi32> to vector<256xi32>
    %broadcast_in_dim3A_272 = vector.shape_cast %reduce_min3A_271 : vector<256xi32> to vector<256x1xi32>
    %eq3A_273 = vector.broadcast %broadcast_in_dim3A_272 : vector<256x1xi32> to vector<256x2048xi32>
    %eq3A_274 = arith.cmpi eq, %add3A_167, %eq3A_273 : vector<256x2048xi32>
    %jit3A_275 = arith.constant 0xFF800000 : f32
    %broadcast_in_dim3A_276 = vector.broadcast %jit3A_275 : f32 to vector<256x2048xf32>
    %select_n3A_277 = arith.select %eq3A_274, %broadcast_in_dim3A_276, %select_n3A_261 : vector<256x2048xi1>, vector<256x2048xf32>
    %reduce_max3A_278 = arith.constant dense<0xFF800000> : vector<256xf32>
    %reduce_max3A_279 = vector.multi_reduction <maximumf>, %select_n3A_277, %reduce_max3A_278 [1] : vector<256x2048xf32> to vector<256xf32>
    %broadcast_in_dim3A_280 = vector.shape_cast %reduce_max3A_279 : vector<256xf32> to vector<256x1xf32>
    %eq3A_281 = vector.broadcast %broadcast_in_dim3A_280 : vector<256x1xf32> to vector<256x2048xf32>
    %eq3A_282 = arith.cmpf oeq, %select_n3A_277, %eq3A_281 : vector<256x2048xf32>
    %jit3A_283 = arith.constant 1073741824 : i32
    %broadcast_in_dim3A_284 = vector.broadcast %jit3A_283 : i32 to vector<256x2048xi32>
    %select_n3A_285 = arith.select %eq3A_282, %add3A_167, %broadcast_in_dim3A_284 : vector<256x2048xi1>, vector<256x2048xi32>
    %reduce_min3A_286 = arith.constant dense<2147483647> : vector<256xi32>
    %reduce_min3A_287 = vector.multi_reduction <minsi>, %select_n3A_285, %reduce_min3A_286 [1] : vector<256x2048xi32> to vector<256xi32>
    %broadcast_in_dim3A_288 = vector.shape_cast %reduce_min3A_287 : vector<256xi32> to vector<256x1xi32>
    %eq3A_289 = vector.broadcast %broadcast_in_dim3A_288 : vector<256x1xi32> to vector<256x2048xi32>
    %eq3A_290 = arith.cmpi eq, %add3A_167, %eq3A_289 : vector<256x2048xi32>
    %jit3A_291 = arith.constant 0xFF800000 : f32
    %broadcast_in_dim3A_292 = vector.broadcast %jit3A_291 : f32 to vector<256x2048xf32>
    %select_n3A_293 = arith.select %eq3A_290, %broadcast_in_dim3A_292, %select_n3A_277 : vector<256x2048xi1>, vector<256x2048xf32>
    %reduce_max3A_294 = arith.constant dense<0xFF800000> : vector<256xf32>
    %reduce_max3A_295 = vector.multi_reduction <maximumf>, %select_n3A_293, %reduce_max3A_294 [1] : vector<256x2048xf32> to vector<256xf32>
    %broadcast_in_dim3A_296 = vector.shape_cast %reduce_max3A_295 : vector<256xf32> to vector<256x1xf32>
    %eq3A_297 = vector.broadcast %broadcast_in_dim3A_296 : vector<256x1xf32> to vector<256x2048xf32>
    %eq3A_298 = arith.cmpf oeq, %select_n3A_293, %eq3A_297 : vector<256x2048xf32>
    %jit3A_299 = arith.constant 1073741824 : i32
    %broadcast_in_dim3A_300 = vector.broadcast %jit3A_299 : i32 to vector<256x2048xi32>
    %select_n3A_301 = arith.select %eq3A_298, %add3A_167, %broadcast_in_dim3A_300 : vector<256x2048xi1>, vector<256x2048xi32>
    %reduce_min3A_302 = arith.constant dense<2147483647> : vector<256xi32>
    %reduce_min3A_303 = vector.multi_reduction <minsi>, %select_n3A_301, %reduce_min3A_302 [1] : vector<256x2048xi32> to vector<256xi32>
    %broadcast_in_dim3A_304 = vector.shape_cast %reduce_min3A_303 : vector<256xi32> to vector<256x1xi32>
    %eq3A_305 = vector.broadcast %broadcast_in_dim3A_304 : vector<256x1xi32> to vector<256x2048xi32>
    %eq3A_306 = arith.cmpi eq, %add3A_167, %eq3A_305 : vector<256x2048xi32>
    %jit3A_307 = arith.constant 0xFF800000 : f32
    %broadcast_in_dim3A_308 = vector.broadcast %jit3A_307 : f32 to vector<256x2048xf32>
    %select_n3A_309 = arith.select %eq3A_306, %broadcast_in_dim3A_308, %select_n3A_293 : vector<256x2048xi1>, vector<256x2048xf32>
    %reduce_max3A_310 = arith.constant dense<0xFF800000> : vector<256xf32>
    %reduce_max3A_311 = vector.multi_reduction <maximumf>, %select_n3A_309, %reduce_max3A_310 [1] : vector<256x2048xf32> to vector<256xf32>
    %broadcast_in_dim3A_312 = vector.shape_cast %reduce_max3A_311 : vector<256xf32> to vector<256x1xf32>
    %eq3A_313 = vector.broadcast %broadcast_in_dim3A_312 : vector<256x1xf32> to vector<256x2048xf32>
    %eq3A_314 = arith.cmpf oeq, %select_n3A_309, %eq3A_313 : vector<256x2048xf32>
    %jit3A_315 = arith.constant 1073741824 : i32
    %broadcast_in_dim3A_316 = vector.broadcast %jit3A_315 : i32 to vector<256x2048xi32>
    %select_n3A_317 = arith.select %eq3A_314, %add3A_167, %broadcast_in_dim3A_316 : vector<256x2048xi1>, vector<256x2048xi32>
    %reduce_min3A_318 = arith.constant dense<2147483647> : vector<256xi32>
    %reduce_min3A_319 = vector.multi_reduction <minsi>, %select_n3A_317, %reduce_min3A_318 [1] : vector<256x2048xi32> to vector<256xi32>
    %broadcast_in_dim3A_320 = vector.shape_cast %reduce_min3A_319 : vector<256xi32> to vector<256x1xi32>
    %eq3A_321 = vector.broadcast %broadcast_in_dim3A_320 : vector<256x1xi32> to vector<256x2048xi32>
    %eq3A_322 = arith.cmpi eq, %add3A_167, %eq3A_321 : vector<256x2048xi32>
    %jit3A_323 = arith.constant 0xFF800000 : f32
    %broadcast_in_dim3A_324 = vector.broadcast %jit3A_323 : f32 to vector<256x2048xf32>
    %select_n3A_325 = arith.select %eq3A_322, %broadcast_in_dim3A_324, %select_n3A_309 : vector<256x2048xi1>, vector<256x2048xf32>
    %reduce_max3A_326 = arith.constant dense<0xFF800000> : vector<256xf32>
    %reduce_max3A_327 = vector.multi_reduction <maximumf>, %select_n3A_325, %reduce_max3A_326 [1] : vector<256x2048xf32> to vector<256xf32>
    %broadcast_in_dim3A_328 = vector.shape_cast %reduce_max3A_327 : vector<256xf32> to vector<256x1xf32>
    %eq3A_329 = vector.broadcast %broadcast_in_dim3A_328 : vector<256x1xf32> to vector<256x2048xf32>
    %eq3A_330 = arith.cmpf oeq, %select_n3A_325, %eq3A_329 : vector<256x2048xf32>
    %jit3A_331 = arith.constant 1073741824 : i32
    %broadcast_in_dim3A_332 = vector.broadcast %jit3A_331 : i32 to vector<256x2048xi32>
    %select_n3A_333 = arith.select %eq3A_330, %add3A_167, %broadcast_in_dim3A_332 : vector<256x2048xi1>, vector<256x2048xi32>
    %reduce_min3A_334 = arith.constant dense<2147483647> : vector<256xi32>
    %reduce_min3A_335 = vector.multi_reduction <minsi>, %select_n3A_333, %reduce_min3A_334 [1] : vector<256x2048xi32> to vector<256xi32>
    %broadcast_in_dim3A_336 = vector.shape_cast %reduce_min3A_335 : vector<256xi32> to vector<256x1xi32>
    %eq3A_337 = vector.broadcast %broadcast_in_dim3A_336 : vector<256x1xi32> to vector<256x2048xi32>
    %eq3A_338 = arith.cmpi eq, %add3A_167, %eq3A_337 : vector<256x2048xi32>
    %jit3A_339 = arith.constant 0xFF800000 : f32
    %broadcast_in_dim3A_340 = vector.broadcast %jit3A_339 : f32 to vector<256x2048xf32>
    %select_n3A_341 = arith.select %eq3A_338, %broadcast_in_dim3A_340, %select_n3A_325 : vector<256x2048xi1>, vector<256x2048xf32>
    %reduce_max3A_342 = arith.constant dense<0xFF800000> : vector<256xf32>
    %reduce_max3A_343 = vector.multi_reduction <maximumf>, %select_n3A_341, %reduce_max3A_342 [1] : vector<256x2048xf32> to vector<256xf32>
    %broadcast_in_dim3A_344 = vector.shape_cast %reduce_max3A_343 : vector<256xf32> to vector<256x1xf32>
    %eq3A_345 = vector.broadcast %broadcast_in_dim3A_344 : vector<256x1xf32> to vector<256x2048xf32>
    %eq3A_346 = arith.cmpf oeq, %select_n3A_341, %eq3A_345 : vector<256x2048xf32>
    %jit3A_347 = arith.constant 1073741824 : i32
    %broadcast_in_dim3A_348 = vector.broadcast %jit3A_347 : i32 to vector<256x2048xi32>
    %select_n3A_349 = arith.select %eq3A_346, %add3A_167, %broadcast_in_dim3A_348 : vector<256x2048xi1>, vector<256x2048xi32>
    %reduce_min3A_350 = arith.constant dense<2147483647> : vector<256xi32>
    %reduce_min3A_351 = vector.multi_reduction <minsi>, %select_n3A_349, %reduce_min3A_350 [1] : vector<256x2048xi32> to vector<256xi32>
    %broadcast_in_dim3A_352 = vector.shape_cast %reduce_min3A_351 : vector<256xi32> to vector<256x1xi32>
    %eq3A_353 = vector.broadcast %broadcast_in_dim3A_352 : vector<256x1xi32> to vector<256x2048xi32>
    %eq3A_354 = arith.cmpi eq, %add3A_167, %eq3A_353 : vector<256x2048xi32>
    %jit3A_355 = arith.constant 0xFF800000 : f32
    %broadcast_in_dim3A_356 = vector.broadcast %jit3A_355 : f32 to vector<256x2048xf32>
    %select_n3A_357 = arith.select %eq3A_354, %broadcast_in_dim3A_356, %select_n3A_341 : vector<256x2048xi1>, vector<256x2048xf32>
    %reduce_max3A_358 = arith.constant dense<0xFF800000> : vector<256xf32>
    %reduce_max3A_359 = vector.multi_reduction <maximumf>, %select_n3A_357, %reduce_max3A_358 [1] : vector<256x2048xf32> to vector<256xf32>
    %broadcast_in_dim3A_360 = vector.shape_cast %reduce_max3A_359 : vector<256xf32> to vector<256x1xf32>
    %eq3A_361 = vector.broadcast %broadcast_in_dim3A_360 : vector<256x1xf32> to vector<256x2048xf32>
    %eq3A_362 = arith.cmpf oeq, %select_n3A_357, %eq3A_361 : vector<256x2048xf32>
    %jit3A_363 = arith.constant 1073741824 : i32
    %broadcast_in_dim3A_364 = vector.broadcast %jit3A_363 : i32 to vector<256x2048xi32>
    %select_n3A_365 = arith.select %eq3A_362, %add3A_167, %broadcast_in_dim3A_364 : vector<256x2048xi1>, vector<256x2048xi32>
    %reduce_min3A_366 = arith.constant dense<2147483647> : vector<256xi32>
    %reduce_min3A_367 = vector.multi_reduction <minsi>, %select_n3A_365, %reduce_min3A_366 [1] : vector<256x2048xi32> to vector<256xi32>
    %broadcast_in_dim3A_368 = vector.shape_cast %reduce_min3A_367 : vector<256xi32> to vector<256x1xi32>
    %eq3A_369 = vector.broadcast %broadcast_in_dim3A_368 : vector<256x1xi32> to vector<256x2048xi32>
    %eq3A_370 = arith.cmpi eq, %add3A_167, %eq3A_369 : vector<256x2048xi32>
    %jit3A_371 = arith.constant 0xFF800000 : f32
    %broadcast_in_dim3A_372 = vector.broadcast %jit3A_371 : f32 to vector<256x2048xf32>
    %select_n3A_373 = arith.select %eq3A_370, %broadcast_in_dim3A_372, %select_n3A_357 : vector<256x2048xi1>, vector<256x2048xf32>
    %reduce_max3A_374 = arith.constant dense<0xFF800000> : vector<256xf32>
    %reduce_max3A_375 = vector.multi_reduction <maximumf>, %select_n3A_373, %reduce_max3A_374 [1] : vector<256x2048xf32> to vector<256xf32>
    %broadcast_in_dim3A_376 = vector.shape_cast %reduce_max3A_375 : vector<256xf32> to vector<256x1xf32>
    %eq3A_377 = vector.broadcast %broadcast_in_dim3A_376 : vector<256x1xf32> to vector<256x2048xf32>
    %eq3A_378 = arith.cmpf oeq, %select_n3A_373, %eq3A_377 : vector<256x2048xf32>
    %jit3A_379 = arith.constant 1073741824 : i32
    %broadcast_in_dim3A_380 = vector.broadcast %jit3A_379 : i32 to vector<256x2048xi32>
    %select_n3A_381 = arith.select %eq3A_378, %add3A_167, %broadcast_in_dim3A_380 : vector<256x2048xi1>, vector<256x2048xi32>
    %reduce_min3A_382 = arith.constant dense<2147483647> : vector<256xi32>
    %reduce_min3A_383 = vector.multi_reduction <minsi>, %select_n3A_381, %reduce_min3A_382 [1] : vector<256x2048xi32> to vector<256xi32>
    %broadcast_in_dim3A_384 = vector.shape_cast %reduce_min3A_383 : vector<256xi32> to vector<256x1xi32>
    %eq3A_385 = vector.broadcast %broadcast_in_dim3A_384 : vector<256x1xi32> to vector<256x2048xi32>
    %eq3A_386 = arith.cmpi eq, %add3A_167, %eq3A_385 : vector<256x2048xi32>
    %jit3A_387 = arith.constant 0xFF800000 : f32
    %broadcast_in_dim3A_388 = vector.broadcast %jit3A_387 : f32 to vector<256x2048xf32>
    %select_n3A_389 = arith.select %eq3A_386, %broadcast_in_dim3A_388, %select_n3A_373 : vector<256x2048xi1>, vector<256x2048xf32>
    %reduce_max3A_390 = arith.constant dense<0xFF800000> : vector<256xf32>
    %reduce_max3A_391 = vector.multi_reduction <maximumf>, %select_n3A_389, %reduce_max3A_390 [1] : vector<256x2048xf32> to vector<256xf32>
    %broadcast_in_dim3A_392 = vector.shape_cast %reduce_max3A_391 : vector<256xf32> to vector<256x1xf32>
    %eq3A_393 = vector.broadcast %broadcast_in_dim3A_392 : vector<256x1xf32> to vector<256x2048xf32>
    %eq3A_394 = arith.cmpf oeq, %select_n3A_389, %eq3A_393 : vector<256x2048xf32>
    %jit3A_395 = arith.constant 1073741824 : i32
    %broadcast_in_dim3A_396 = vector.broadcast %jit3A_395 : i32 to vector<256x2048xi32>
    %select_n3A_397 = arith.select %eq3A_394, %add3A_167, %broadcast_in_dim3A_396 : vector<256x2048xi1>, vector<256x2048xi32>
    %reduce_min3A_398 = arith.constant dense<2147483647> : vector<256xi32>
    %reduce_min3A_399 = vector.multi_reduction <minsi>, %select_n3A_397, %reduce_min3A_398 [1] : vector<256x2048xi32> to vector<256xi32>
    %broadcast_in_dim3A_400 = vector.shape_cast %reduce_min3A_399 : vector<256xi32> to vector<256x1xi32>
    %eq3A_401 = vector.broadcast %broadcast_in_dim3A_400 : vector<256x1xi32> to vector<256x2048xi32>
    %eq3A_402 = arith.cmpi eq, %add3A_167, %eq3A_401 : vector<256x2048xi32>
    %jit3A_403 = arith.constant 0xFF800000 : f32
    %broadcast_in_dim3A_404 = vector.broadcast %jit3A_403 : f32 to vector<256x2048xf32>
    %select_n3A_405 = arith.select %eq3A_402, %broadcast_in_dim3A_404, %select_n3A_389 : vector<256x2048xi1>, vector<256x2048xf32>
    %reduce_max3A_406 = arith.constant dense<0xFF800000> : vector<256xf32>
    %reduce_max3A_407 = vector.multi_reduction <maximumf>, %select_n3A_405, %reduce_max3A_406 [1] : vector<256x2048xf32> to vector<256xf32>
    %broadcast_in_dim3A_408 = vector.shape_cast %reduce_max3A_407 : vector<256xf32> to vector<256x1xf32>
    %eq3A_409 = vector.broadcast %broadcast_in_dim3A_408 : vector<256x1xf32> to vector<256x2048xf32>
    %eq3A_410 = arith.cmpf oeq, %select_n3A_405, %eq3A_409 : vector<256x2048xf32>
    %jit3A_411 = arith.constant 1073741824 : i32
    %broadcast_in_dim3A_412 = vector.broadcast %jit3A_411 : i32 to vector<256x2048xi32>
    %select_n3A_413 = arith.select %eq3A_410, %add3A_167, %broadcast_in_dim3A_412 : vector<256x2048xi1>, vector<256x2048xi32>
    %reduce_min3A_414 = arith.constant dense<2147483647> : vector<256xi32>
    %reduce_min3A_415 = vector.multi_reduction <minsi>, %select_n3A_413, %reduce_min3A_414 [1] : vector<256x2048xi32> to vector<256xi32>
    %broadcast_in_dim3A_416 = vector.shape_cast %reduce_min3A_415 : vector<256xi32> to vector<256x1xi32>
    %concatenate3A = tpu.concatenate %broadcast_in_dim3A_169, %broadcast_in_dim3A_184, %broadcast_in_dim3A_200, %broadcast_in_dim3A_216, %broadcast_in_dim3A_232, %broadcast_in_dim3A_248, %broadcast_in_dim3A_264, %broadcast_in_dim3A_280, %broadcast_in_dim3A_296, %broadcast_in_dim3A_312, %broadcast_in_dim3A_328, %broadcast_in_dim3A_344, %broadcast_in_dim3A_360, %broadcast_in_dim3A_376, %broadcast_in_dim3A_392, %broadcast_in_dim3A_408 in 1 : vector<256x1xf32>, vector<256x1xf32>, vector<256x1xf32>, vector<256x1xf32>, vector<256x1xf32>, vector<256x1xf32>, vector<256x1xf32>, vector<256x1xf32>, vector<256x1xf32>, vector<256x1xf32>, vector<256x1xf32>, vector<256x1xf32>, vector<256x1xf32>, vector<256x1xf32>, vector<256x1xf32>, vector<256x1xf32> -> vector<256x16xf32>
    %concatenate3A_417 = tpu.concatenate %broadcast_in_dim3A_176, %broadcast_in_dim3A_192, %broadcast_in_dim3A_208, %broadcast_in_dim3A_224, %broadcast_in_dim3A_240, %broadcast_in_dim3A_256, %broadcast_in_dim3A_272, %broadcast_in_dim3A_288, %broadcast_in_dim3A_304, %broadcast_in_dim3A_320, %broadcast_in_dim3A_336, %broadcast_in_dim3A_352, %broadcast_in_dim3A_368, %broadcast_in_dim3A_384, %broadcast_in_dim3A_400, %broadcast_in_dim3A_416 in 1 : vector<256x1xi32>, vector<256x1xi32>, vector<256x1xi32>, vector<256x1xi32>, vector<256x1xi32>, vector<256x1xi32>, vector<256x1xi32>, vector<256x1xi32>, vector<256x1xi32>, vector<256x1xi32>, vector<256x1xi32>, vector<256x1xi32>, vector<256x1xi32>, vector<256x1xi32>, vector<256x1xi32>, vector<256x1xi32> -> vector<256x16xi32>
    %iota3A_418 = tpu.iota {dimensions = array<i32: 1>} : vector<256x16xi32>
    %ge3A = arith.constant 1.000000e-01 : f32
    %ge3A_419 = vector.broadcast %ge3A : f32 to vector<256x16xf32>
    %ge3A_420 = arith.cmpf oge, %concatenate3A, %ge3A_419 : vector<256x16xf32>
    %lt3A = arith.constant 15 : i32
    %lt3A_421 = vector.broadcast %lt3A : i32 to vector<256x16xi32>
    %lt3A_422 = arith.cmpi slt, %iota3A_418, %lt3A_421 : vector<256x16xi32>
    %and3A_423 = arith.andi %ge3A_420, %lt3A_422 : vector<256x16xi1>
    %convert_element_type3A = arith.extui %and3A_423 : vector<256x16xi1> to vector<256x16xi32>
    %reduce_sum3A = arith.constant dense<0> : vector<256xi32>
    %reduce_sum3A_424 = vector.multi_reduction <add>, %convert_element_type3A, %reduce_sum3A [1] : vector<256x16xi32> to vector<256xi32>
    %broadcast_in_dim3A_425 = vector.shape_cast %reduce_sum3A_424 : vector<256xi32> to vector<256x1xi32>
    %ge3A_426 = arith.constant 2 : i32
    %ge3A_427 = vector.broadcast %ge3A_426 : i32 to vector<256x1xi32>
    %ge3A_428 = arith.cmpi sge, %broadcast_in_dim3A_425, %ge3A_427 : vector<256x1xi32>
    %and3A_429 = vector.broadcast %ge3A_428 : vector<256x1xi1> to vector<256x16xi1>
    %and3A_430 = arith.andi %and3A_423, %and3A_429 : vector<256x16xi1>
    %swap3A = arith.constant 0 : index
    %swap3A_431 = arith.constant 0 : index
    %swap3A_432 = vector.load %arg3[%swap3A, %swap3A_431] : memref<256x16xf32, #tpu.memory_space<vmem>>, vector<256x16xf32>
    tpu.vector_store %arg3[%swap3A, %swap3A_431], %concatenate3A {strides = array<i32>} : memref<256x16xf32, #tpu.memory_space<vmem>>, vector<256x16xf32>,
    %swap3A_433 = arith.constant 0 : index
    %swap3A_434 = arith.constant 0 : index
    %swap3A_435 = vector.load %arg4[%swap3A_433, %swap3A_434] : memref<256x16xi32, #tpu.memory_space<vmem>>, vector<256x16xi32>
    tpu.vector_store %arg4[%swap3A_433, %swap3A_434], %concatenate3A_417 {strides = array<i32>} : memref<256x16xi32, #tpu.memory_space<vmem>>, vector<256x16xi32>,
    %jit3A_436 = arith.constant 100000 : i32
    %broadcast_in_dim3A_437 = vector.broadcast %jit3A_436 : i32 to vector<256x16xi32>
    %select_n3A_438 = arith.select %and3A_430, %concatenate3A_417, %broadcast_in_dim3A_437 : vector<256x16xi1>, vector<256x16xi32>
    %swap3A_439 = arith.constant 0 : index
    %swap3A_440 = arith.constant 0 : index
    %swap3A_441 = vector.load %arg5[%swap3A_439, %swap3A_440] : memref<256x16xi32, #tpu.memory_space<vmem>>, vector<256x16xi32>
    tpu.vector_store %arg5[%swap3A_439, %swap3A_440], %select_n3A_438 {strides = array<i32>} : memref<256x16xi32, #tpu.memory_space<vmem>>, vector<256x16xi32>,
    %convert_element_type3A_442 = arith.extui %and3A_430 : vector<256x16xi1> to vector<256x16xi32>
    %sub3A = arith.constant 1 : i32
    %sub3A_443 = vector.broadcast %sub3A : i32 to vector<256x16xi32>
    %sub3A_444 = arith.subi %sub3A_443, %convert_element_type3A_442 : vector<256x16xi32>
    %swap3A_445 = arith.constant 0 : index
    %swap3A_446 = arith.constant 0 : index
    %swap3A_447 = vector.load %arg6[%swap3A_445, %swap3A_446] : memref<256x16xi32, #tpu.memory_space<vmem>>, vector<256x16xi32>
    tpu.vector_store %arg6[%swap3A_445, %swap3A_446], %sub3A_444 {strides = array<i32>} : memref<256x16xi32, #tpu.memory_space<vmem>>, vector<256x16xi32>,
    %slice3A_448 = vector.extract_strided_slice %concatenate3A {offsets = [0, 0], sizes = [256, 1], strides = [1, 1]} : vector<256x16xf32> to vector<256x1xf32>
    %reduce_sum3A_449 = vector.shape_cast %slice3A_448 : vector<256x1xf32> to vector<1x256x1xf32>
    %reduce_sum3A_450 = arith.constant dense<0.000000e+00> : vector<1xf32>
    %reduce_sum3A_451 = vector.multi_reduction <add>, %reduce_sum3A_449, %reduce_sum3A_450 [1, 2] : vector<1x256x1xf32> to vector<1xf32>
    %reduce_sum3A_452 = vector.shape_cast %reduce_sum3A_451 : vector<1xf32> to vector<1x1x1xf32>
    %reduce_sum3A_453 = vector.extract %reduce_sum3A_452[0, 0, 0] : f32 from vector<1x1x1xf32>
    %div3A = arith.constant 1.024000e+03 : f32
    %div3A_454 = arith.divf %reduce_sum3A_453, %div3A : f32
    %lt3A_455 = arith.constant 15 : i32
    %lt3A_456 = vector.broadcast %lt3A_455 : i32 to vector<256x16xi32>
    %lt3A_457 = arith.cmpi slt, %iota3A_418, %lt3A_456 : vector<256x16xi32>
    %jit3A_458 = arith.constant 0.000000e+00 : f32
    %broadcast_in_dim3A_459 = vector.broadcast %jit3A_458 : f32 to vector<256x16xf32>
    %select_n3A_460 = arith.select %lt3A_457, %concatenate3A, %broadcast_in_dim3A_459 : vector<256x16xi1>, vector<256x16xf32>
    %reduce_sum3A_461 = vector.shape_cast %select_n3A_460 : vector<256x16xf32> to vector<1x256x16xf32>
    %reduce_sum3A_462 = arith.constant dense<0.000000e+00> : vector<1xf32>
    %reduce_sum3A_463 = vector.multi_reduction <add>, %reduce_sum3A_461, %reduce_sum3A_462 [1, 2] : vector<1x256x16xf32> to vector<1xf32>
    %reduce_sum3A_464 = vector.shape_cast %reduce_sum3A_463 : vector<1xf32> to vector<1x1x1xf32>
    %reduce_sum3A_465 = vector.extract %reduce_sum3A_464[0, 0, 0] : f32 from vector<1x1x1xf32>
    %div3A_466 = arith.constant 1.536000e+04 : f32
    %div3A_467 = arith.divf %reduce_sum3A_465, %div3A_466 : f32
    %convert_element_type3A_468 = arith.extui %ge3A_428 : vector<256x1xi1> to vector<256x1xi32>
    %convert_element_type3A_469 = arith.sitofp %convert_element_type3A_468 : vector<256x1xi32> to vector<256x1xf32>
    %reduce_sum3A_470 = vector.shape_cast %convert_element_type3A_469 : vector<256x1xf32> to vector<1x256x1xf32>
    %reduce_sum3A_471 = arith.constant dense<0.000000e+00> : vector<1xf32>
    %reduce_sum3A_472 = vector.multi_reduction <add>, %reduce_sum3A_470, %reduce_sum3A_471 [1, 2] : vector<1x256x1xf32> to vector<1xf32>
    %reduce_sum3A_473 = vector.shape_cast %reduce_sum3A_472 : vector<1xf32> to vector<1x1x1xf32>
    %reduce_sum3A_474 = vector.extract %reduce_sum3A_473[0, 0, 0] : f32 from vector<1x1x1xf32>
    %div3A_475 = arith.constant 1.024000e+03 : f32
    %div3A_476 = arith.divf %reduce_sum3A_474, %div3A_475 : f32
    %iota3A_477 = tpu.iota {dimensions = array<i32: 1>} : vector<8x128xi32>
    %eq3A_478 = arith.constant 0 : i32
    %eq3A_479 = vector.broadcast %eq3A_478 : i32 to vector<8x128xi32>
    %eq3A_480 = arith.cmpi eq, %iota3A_477, %eq3A_479 : vector<8x128xi32>
    %eq3A_481 = arith.constant 1 : i32
    %eq3A_482 = vector.broadcast %eq3A_481 : i32 to vector<8x128xi32>
    %eq3A_483 = arith.cmpi eq, %iota3A_477, %eq3A_482 : vector<8x128xi32>
    %eq3A_484 = arith.constant 2 : i32
    %eq3A_485 = vector.broadcast %eq3A_484 : i32 to vector<8x128xi32>
    %eq3A_486 = arith.cmpi eq, %iota3A_477, %eq3A_485 : vector<8x128xi32>
    %jit3A_487 = arith.constant 0.000000e+00 : f32
    %broadcast_in_dim3A_488 = vector.broadcast %div3A_476 : f32 to vector<8x128xf32>
    %broadcast_in_dim3A_489 = vector.broadcast %jit3A_487 : f32 to vector<8x128xf32>
    %select_n3A_490 = arith.select %eq3A_486, %broadcast_in_dim3A_488, %broadcast_in_dim3A_489 : vector<8x128xi1>, vector<8x128xf32>
    %broadcast_in_dim3A_491 = vector.broadcast %div3A_467 : f32 to vector<8x128xf32>
    %select_n3A_492 = arith.select %eq3A_483, %broadcast_in_dim3A_491, %select_n3A_490 : vector<8x128xi1>, vector<8x128xf32>
    %broadcast_in_dim3A_493 = vector.broadcast %div3A_454 : f32 to vector<8x128xf32>
    %select_n3A_494 = arith.select %eq3A_480, %broadcast_in_dim3A_493, %select_n3A_492 : vector<8x128xi1>, vector<8x128xf32>
    %eq3A_495 = arith.constant 0 : i32
    %eq3A_496 = arith.cmpi eq, %arg0, %eq3A_495 : i32
    %convert_element_type3A_497 = arith.extui %eq3A_496 : i1 to i32
    %cond3A = arith.constant 0 : i32
    %cond3A_498 = arith.cmpi ne, %convert_element_type3A_497, %cond3A : i32
    scf.if %cond3A_498 {
      %broadcast_in_dim3A_506 = arith.constant 0.000000e+00 : f32
      %broadcast_in_dim3A_507 = vector.broadcast %broadcast_in_dim3A_506 : f32 to vector<8x128xf32>
      %swap3A_508 = arith.constant 0 : index
      %swap3A_509 = arith.constant 0 : index
      %swap3A_510 = vector.load %arg7[%swap3A_508, %swap3A_509] : memref<8x128xf32, #tpu.memory_space<vmem>>, vector<8x128xf32>
      tpu.vector_store %arg7[%swap3A_508, %swap3A_509], %broadcast_in_dim3A_507 {strides = array<i32>} : memref<8x128xf32, #tpu.memory_space<vmem>>, vector<8x128xf32>,
    } else {
    }
    %get3A_499 = arith.constant 0 : index
    %get3A_500 = arith.constant 0 : index
    %get3A_501 = vector.load %arg7[%get3A_499, %get3A_500] : memref<8x128xf32, #tpu.memory_space<vmem>>, vector<8x128xf32>
    %add3A_502 = arith.addf %get3A_501, %select_n3A_494 : vector<8x128xf32>
    %swap3A_503 = arith.constant 0 : index
    %swap3A_504 = arith.constant 0 : index
    %swap3A_505 = vector.load %arg7[%swap3A_503, %swap3A_504] : memref<8x128xf32, #tpu.memory_space<vmem>>, vector<8x128xf32>
    tpu.vector_store %arg7[%swap3A_503, %swap3A_504], %add3A_502 {strides = array<i32>} : memref<8x128xf32, #tpu.memory_space<vmem>>, vector<8x128xf32>,
    return
  }
  func.func @transform_0(%arg0: i32) -> (i32, i32) {
    %c0_i32 = arith.constant 0 : i32
    %c0_i32_0 = arith.constant 0 : i32
    return %arg0, %c0_i32 : i32, i32
  }
  func.func @transform_1(%arg0: i32) -> (i32, i32) {
    %c0_i32 = arith.constant 0 : i32
    %c0_i32_0 = arith.constant 0 : i32
    return %arg0, %c0_i32 : i32, i32
  }
  func.func @transform_2(%arg0: i32) -> (i32, i32) {
    %c0_i32 = arith.constant 0 : i32
    %c0_i32_0 = arith.constant 0 : i32
    return %arg0, %c0_i32 : i32, i32
  }
  func.func @transform_3(%arg0: i32) -> (i32, i32) {
    %c0_i32 = arith.constant 0 : i32
    %c0_i32_0 = arith.constant 0 : i32
    return %arg0, %c0_i32 : i32, i32
  }
  func.func @transform_4(%arg0: i32) -> (i32, i32) {
    %c0_i32 = arith.constant 0 : i32
    %c0_i32_0 = arith.constant 0 : i32
    return %arg0, %c0_i32 : i32, i32
  }
  func.func @transform_5(%arg0: i32) -> (i32, i32) {
    %c0_i32 = arith.constant 0 : i32
    %c0_i32_0 = arith.constant 0 : i32
    return %arg0, %c0_i32 : i32, i32
  }
  func.func @transform_6(%arg0: i32) -> (i32, i32) {
    %c0_i32 = arith.constant 0 : i32
    %c0_i32_0 = arith.constant 0 : i32
    %c0_i32_1 = arith.constant 0 : i32
    return %c0_i32, %c0_i32_0 : i32, i32
  }
}

</mosaic_0001>

<sc_bundles>
// kernel: kernel.10.cloned.1.call-start
scs
__scs_entry_jumppad:
0x0: {  	(pc) =	sbr.rel $0x88, $3  }
0x1: {  	(tag) =	ssettag $0x0;
	lr =	simm.s32 $0x1  }
0x2: {  	[smem:$0x3F9F] =	sst lr;
	_ =	strace $0xD0000000  }
0x3: {  	_ = 	snop  }
0x4: {  	_ = 	snop  }
0x5: {  	_ = 	snop  }
0x6: {  	_ = 	snop  }
0x7: {  	_ = 	snop  }
__scs_overlays_trampoline_lowered:
0x8: {  	[smem:$0x3FAE] =	sst s0  }
0x9: {  	[smem:$0x3FAF] =	sst s1  }
0xa: {  	[smem:$0x3FB0] =	sst s2  }
0xb: {  	[smem:$0x3FB1] =	sst s3  }
0xc: {  	[smem:$0x3FB2] =	sst s4  }
0xd: {  	[smem:$0x3FB3] =	sst s5  }
0xe: {  	[smem:$0x3FB4] =	sst s6  }
0xf: {  	[smem:$0x3FB5] =	sst s7  }
0x10: {  	[smem:$0x3FB6] =	sst s8  }
0x11: {  	[smem:$0x3FB7] =	sst s9;
	s0 =	simm.s32 @!p0 $0x0  }
0x12: {  	s1 =	sld [smem:$0x3F9D];
	s0 =	simm.s32 @p0 $0x1  }
0x13: {  	[smem:$0x3FB8] =	sst s0;
	s0 =	simm.s32 @!p1 $0x0  }
0x14: {  	s2 =	sld [smem:$0x3F9C];
	s0 =	simm.s32 @p1 $0x1  }
0x15: {  	[smem:$0x3FB9] =	sst s0;
	s0 =	simm.s32 @!p2 $0x0  }
0x16: {  	s3 =	sld [smem:$0x3FDB];
	s0 =	simm.s32 @p2 $0x1  }
0x17: {  	s4 =	simm.s32 $0x1BF5;
	[smem:$0x3FBB] =	sst s0  }
0x18: {  	s0 =	sld [smem:$0x3F9E];
	_ =	swait.ge [sflag:s4], $0x0  }
0x19: {  	s7 =	sld [smem:$0x3F9F]  }
0x1a: {  	s8 =	sadd.s32 $0xFFFFE003, lr  }
0x1b: {  	s9 =	sadd.s32 $0xFFFFFEF7, lr;
	s5 =	simm.s32 $0xFFFFFFFF;
	p2 =	slt.u32 s8, $0xFFFFF086  }
0x1c: {  	p1 =	slt.u32 s9, $0xF7A;
	s5 =	simm.s32 @!p2 $0x0  }
0x1d: {  	s5 =	simm.s32 @p1 $0x1;
	p0 =	seq.s32 s7, s2  }
0x1e: {  	s7 =	smul.u32 @!p0 $0xF7A, s2;
	p2 =	seq.s32 @!p0 s5, $0x0  }
0x1f: {  	s9 =	smul.u32 $0xF7A, s1;
	s8 =	simm.s32 @!p0 $0x1BF5;
	p2 =	por !p2, p0  }
0x20: {  	[sflag:s8] =	ssyncset.s32 @!p0 $0xFFFFF086;
	s6 =	sadd.s32 @!p0 s3, s7;
	s7 =	simm.s32 @!p0 $0x108  }
0x21: {  	s3 =	sadd.s32 s3, s9;
	s6 =	sadd.s32 @!p0 $0x88, s6;
	s7 =	simm.s32 @p2 $0x1082  }
0x22: {  	[simem:s7], [sflag:s8] =	dma.local @!p0 [hbm:s6], $0xF7A  }
0x23: {  	s9 =	sor.u32 $0xD0000000, s2;
	s6 =	simm.s32 $0x108;
	_ =	swait.ge @!p0 [sflag:s8], $0x0  }
0x24: {  	s3 =	sadd.s32 $0x88, s3;
	s6 =	simm.s32 @!p1 $0x1082;
	[sflag:s4] =	ssyncset.s32 $0xFFFFF086  }
0x25: {  	[simem:s6], [sflag:s4] =	dma.local [hbm:s3], $0xF7A  }
0x26: {  	[smem:$0x3F9F] =	sst s1;
	(tag) =	ssettag s2;
	_ =	strace s9  }
0x27: {  	s1 =	sld [smem:$0x3FAF]  }
0x28: {  	s2 =	sld [smem:$0x3FB0]  }
0x29: {  	s4 =	sld [smem:$0x3FB2]  }
0x2a: {  	p0 =	seq.s32 s5, $0x0;
	s5 =	sld [smem:$0x3FB3]  }
0x2b: {  	s6 =	sld [smem:$0x3FB4]  }
0x2c: {  	s7 =	sld [smem:$0x3FB5]  }
0x2d: {  	s3 =	simm.s32 $0x108;
	s8 =	sld [smem:$0x3FB6]  }
0x2e: {  	s3 =	simm.s32 @!p0 $0x1082;
	s9 =	sld [smem:$0x3FB7]  }
0x2f: {  	lr =	sadd.s32 s0, s3;
	s0 =	sld [smem:$0x3FAE]  }
0x30: {  	s3 =	sld [smem:$0x3FB1]  }
0x31: {  	[smem:$0x3FBA] =	sst s10  }
0x32: {  	s10 =	sld [smem:$0x3FB8];
	_ =	sdelay $0x3  }
0x33: {  	p0 =	seq.s32 s10, $0x1;
	s10 =	sld [smem:$0x3FBA];
	_ =	sdelay $0x3  }
0x34: {  	[smem:$0x3FBA] =	sst s10  }
0x35: {  	s10 =	sld [smem:$0x3FB9];
	_ =	sdelay $0x3  }
0x36: {  	p1 =	seq.s32 s10, $0x1;
	s10 =	sld [smem:$0x3FBA];
	_ =	sdelay $0x3  }
0x37: {  	[smem:$0x3FBA] =	sst s10  }
0x38: {  	s10 =	sld [smem:$0x3FBB]  }
0x39: {  	_ = 	snop;
	(pc) =	sbr.ind lr, $3  }
0x3a: {  	_ = 	snop  }
0x3b: {  	_ = 	snop  }
0x3c: {  	p2 =	seq.s32 s10, $0x1;
	s10 =	sld [smem:$0x3FBA]  }
0x3d: {  	_ =	shalt  }
0x3e: {  	_ =	shalt  }
0x3f: {  	_ =	shalt  }
0x40: {  	_ =	shalt  }
0x41: {  	_ =	shalt  }
0x42: {  	_ =	shalt  }
0x43: {  	_ =	shalt  }
0x44: {  	_ =	shalt  }
0x45: {  	_ =	shalt  }
0x46: {  	_ =	shalt  }
0x47: {  	_ =	shalt  }
0x48: {  	_ =	shalt  }
0x49: {  	_ =	shalt  }
0x4a: {  	_ =	shalt  }
0x4b: {  	_ =	shalt  }
0x4c: {  	_ =	shalt  }
0x4d: {  	_ =	shalt  }
0x4e: {  	_ =	shalt  }
0x4f: {  	_ =	shalt  }
0x50: {  	_ =	shalt  }
0x51: {  	_ =	shalt  }
0x52: {  	_ =	shalt  }
0x53: {  	_ =	shalt  }
0x54: {  	_ =	shalt  }
0x55: {  	_ =	shalt  }
0x56: {  	_ =	shalt  }
0x57: {  	_ =	shalt  }
0x58: {  	_ =	shalt  }
0x59: {  	_ =	shalt  }
0x5a: {  	_ =	shalt  }
0x5b: {  	_ =	shalt  }
0x5c: {  	_ =	shalt  }
0x5d: {  	_ =	shalt  }
0x5e: {  	_ =	shalt  }
0x5f: {  	_ =	shalt  }
0x60: {  	_ =	shalt  }
0x61: {  	_ =	shalt  }
0x62: {  	_ =	shalt  }
0x63: {  	_ =	shalt  }
0x64: {  	_ =	shalt  }
0x65: {  	_ =	shalt  }
0x66: {  	_ =	shalt  }
0x67: {  	_ =	shalt  }
0x68: {  	_ =	shalt  }
0x69: {  	_ =	shalt  }
0x6a: {  	_ =	shalt  }
0x6b: {  	_ =	shalt  }
0x6c: {  	_ =	shalt  }
0x6d: {  	_ =	shalt  }
0x6e: {  	_ =	shalt  }
0x6f: {  	_ =	shalt  }
0x70: {  	_ =	shalt  }
0x71: {  	_ =	shalt  }
0x72: {  	_ =	shalt  }
0x73: {  	_ =	shalt  }
0x74: {  	_ =	shalt  }
0x75: {  	_ =	shalt  }
0x76: {  	_ =	shalt  }
0x77: {  	_ =	shalt  }
0x78: {  	_ =	shalt  }
0x79: {  	_ =	shalt  }
0x7a: {  	_ =	shalt  }
0x7b: {  	_ =	shalt  }
0x7c: {  	_ =	shalt  }
0x7d: {  	_ =	shalt  }
0x7e: {  	_ =	shalt  }
0x7f: {  	_ =	shalt  }
0x80: {  	_ =	shalt  }
0x81: {  	_ =	shalt  }
0x82: {  	_ =	shalt  }
0x83: {  	_ =	shalt  }
0x84: {  	_ =	shalt  }
0x85: {  	_ =	shalt  }
0x86: {  	_ =	shalt  }
0x87: {  	_ =	shalt  }
.Lfunc_end0:
.L_simem_size_0:
called_computation.1_lowered:
.L_overlay_start_0:
0x88: {  	s2 =	sld [smem:$0x3FD9]  }
0x89: {  	s3 =	sld [smem:$0x3FFE];
	_ =	sdelay $0x1  }
0x8a: {  	s1 =	srdreg.scid  }
0x8b: {  	s0 =	sand.u32 $0x1, s1  }
0x8c: {  	s14 =	sshll.u32 s0, $0xA;
	s2 =	sadd.s32 s3, s2  }
0x8d: {  	s2 =	sadd.s32 s2, s14  }
0x8e: {  	[smem:$0x3FC6] =	sst s2  }
0x8f: {  	_ = 	snop  }
0x90: {  	s2 =	sld [smem:$0x3FD0];
	_ =	sdelay $0x2  }
0x91: {  	s15 =	simm.s32 $0xA;
	s4 =	simm.s32 $0x10  }
0x92: {  	[smem:s4], [sflag:s15] =	dma.local [hbm:s2], $0x1  }
0x93: {  	_ =	swait.eq [sflag:s15], $0x1  }
0x94: {  	[sflag:s15] =	ssyncset.done $0x0  }
0x95: {  	[sflag:s15] =	ssyncadd.s32 $0xFFFFFFFF  }
0x96: {  	s16 =	sld [smem:$0x10];
	(tm) =	ssettm $0x1  }
0x97: {  	s17 =	sld [smem:$0x3FFB];
	_ =	sdelay $0x3  }
0x98: {  	_ =	strace s17  }
0x99: {  	s3 =	sld [smem:$0x3FFC];
	_ =	sdelay $0x3  }
0x9a: {  	_ =	strace s3  }
0x9b: {  	s3 =	sld [smem:$0x3FFD];
	_ =	sdelay $0x3  }
0x9c: {  	_ =	strace s3  }
0x9d: {  	_ =	strace $0x8FFFFFFF  }
0x9e: {  	s18 =	sld [smem:$0x3FDB];
	_ =	sdelay $0x1  }
0x9f: {  	s19 =	simm.s32 $_scs_section_size  }
0xa0: {  	s5 =	simm.s32 $_size__tile_overlayer_lowered;
	s6 =	simm.s32 $_tile_overlayer_lowered  }
0xa1: {  	s22 =	simm.s32 $0x1BFF;
	s21 =	sshll.u32 s6, $0x1;
	s3 =	sadd.s32 s19, s18  }
0xa2: {  	s7 =	simm.s32 $0x0;
	s20 =	sshll.u32 s5, $0x1;
	s5 =	sadd.s32 s21, s3  }
0xa3: {  	[timem:s7], [sflag:s22] =	dma.local [hbm:s5], s20  }
0xa4: {  	_ =	swait.ge [sflag:s22], s20  }
0xa5: {  	s4 =	ssub.s32 $0x0, s20;
	[sflag:s22] =	ssyncset.done $0x0  }
0xa6: {  	[sflag:s22] =	ssyncadd.s32 s4;
	_ =	sdelay $0x1  }
0xa7: {  	s23 =	simm.s32 $0x1B8B  }
0xa8: {  	_ =	swait.ge [sflag:s23], $0x1  }
0xa9: {  	[sflag:s23] =	ssyncset.done $0x0  }
0xaa: {  	s25 =	simm.s32 $0x1B8E;
	s24 =	sld [smem:$0x3FFE];
	[sflag:s23] =	ssyncadd.s32 $0xFFFFFFFF  }
0xab: {  	s26 =	simm.s32 $execute0_lowered;
	[smem:$0x3FD2] =	sst s25  }
0xac: {  	s5 =	sshll.u32 s26, $0x1;
	_ =	strace $0x80000049;
	[dreg:$0x1] =	wrdreg $0xFFFFFFFF  }
0xad: {  	s28 =	simm.s32 $_size_execute0_lowered;
	s3 =	sadd.s32 s3, s5;
	[dreg:$0x0] =	wrdreg $0x0  }
0xae: {  	s5 =	sshll.u32 s28, $0x1;
	[dreg:$0x2] =	wrdreg s3  }
0xaf: {  	[dreg:$0x3] =	wrdreg s5  }
0xb0: {  	[dreg:$0x4] =	wrdreg $0xC0  }
0xb1: {  	_ =	task [dreg:s7], $0x5FFFF  }
0xb2: {  	[dreg:$0x1] =	wrdreg $0xFFFFFFFF  }
0xb3: {  	[dreg:$0x0] =	wrdreg $0x60  }
0xb4: {  	[dreg:$0x2] =	wrdreg s24  }
0xb5: {  	[dreg:$0x3] =	wrdreg s16  }
0xb6: {  	[dreg:$0x4] =	wrdreg $0x9  }
0xb7: {  	_ =	task.clear_ibuf [dreg:s7], $0x5FFFF;
	_ =	strace $0x90000049  }
0xb8: {  	s29 =	simm.s32 $0x9;
	_ =	strace $0x8000004B  }
0xb9: {  	_ =	swait.ge [sflag:s29], $0x1  }
0xba: {  	[sflag:s29] =	ssyncadd.s32 $0xFFFFFFFF  }
0xbb: {  	_ =	strace $0x9000004B  }
0xbc: {  	_ =	sfence  }
0xbd: {  	s30 =	sld [smem:$0x0];
	_ =	sdelay $0x2  }
0xbe: {  	s31 =	sshll.u32 s1, $0xD;
	s1 =	sshrl.u32 s1, $0x2  }
0xbf: {  	s3 =	sand.u32 $0x4000, s31;
	s1 =	sadd.s32 s1, s30  }
0xc0: {  	s0 =	sor.u32 s3, s0;
	s1 =	sshll.u32 s1, $0x11  }
0xc1: {  	s0 =	sor.u32 s1, s0  }
0xc2: {  	s0 =	sadd.s32 $0x8F2B, s0  }
0xc3: {  	[sflag:s0] =	ssyncadd.remote.s32 $0x1  }
0xc4: {  	_ =	sfence.sel $0xFFFF  }
0xc5: {  	[dreg:$0x0] =	wrdreg $0xFFFFFFFF;
	(pc) =	sbr.abs _section_cstart, $3  }
0xc6: {  	[dreg:$0x1] =	wrdreg $0xFFFFFFFF  }
0xc7: {  	_ =	task.clear_ibuf [dreg:s7], $0x2FFFF;
	_ =	strace $0x9FFFFFFF  }
0xc8: {  	(tm) =	ssettm $0x7FFFFFFF  }
0xc9: {  	_ =	shalt  }
tec
execute0_lowered:
.L_overlay_start_1:
0x0: {  	(tag) =	ssettag $0x1  }
0x1: {  	s12 =	rddreg [dreg:$0x0]  }
0x2: {  	s3 =	rddreg [dreg:$0x1];
	s1 =	srdreg.scid  }
0x3: {  	s0 =	rddreg [dreg:$0x2];
	s13 =	sand.u32 $0x1, s1  }
0x4: {  	s2 =	simm.s32 $0x0;
	s1 =	stileid.u32;
	s4 =	sshll.u32 s13, $0x6  }
0x5: {  	[smem:$0x7FF] =	sst s2;
	s5 =	sshll.u32 s1, $0x7;
	s3 =	sadd.s32 s3, s4  }
0x6: {  	_ =	strace $0x8000004A;
	s4 =	sadd.s32 s5, s3;
	s3 =	simm.s32 $0x2  }
0x7: {  	[tilespmem:s2], [sflag:$0x2] =	stream.linear.gather [hbm4b:s4+s2], $0x200, $0x38;
	[tilespmem:$0x10200] =	vst v63  }
0x8: {  	_ =	swait.ge [sflag:s3], $0x200  }
0x9: {  	s6 =	simm.s32 $0x80;
	s7 =	simm.s32 $0x200;
	[sflag:s3] =	ssyncset.done $0x0  }
0xa: {  	s8 =	simm.s32 $0x1;
	s5 =	sadd.s32 $0x187600, s12;
	[sflag:s3] =	ssyncadd.s32 $0xFFFFFE00  }
0xb: {  	[tilespmem:s7], [sflag:$0x1] =	stream.indirect.gather [hbm4b:s5+s6], $0x80, s2, s6, $0xb8;
	[tilespmem:$0x10200] =	vst v63  }
0xc: {  	_ =	swait.ge [sflag:s8], $0x4000  }
0xd: {  	[sflag:s8] =	ssyncset.done $0x0  }
0xe: {  	s9 =	simm.s32 $0x4200;
	[sflag:s8] =	ssyncadd.s32 $0xFFFFC000  }
0xf: {  	[tilespmem:s9], [sflag:$0x1] =	stream.indirect.gather [hbm4b:s5+s6], $0x80, s6, s6, $0xb8;
	[tilespmem:$0x10200] =	vst v63  }
0x10: {  	_ =	swait.ge [sflag:s8], $0x4000  }
0x11: {  	s10 =	simm.s32 $0x100;
	s11 =	simm.s32 $0x8200;
	[sflag:s8] =	ssyncset.done $0x0  }
0x12: {  	s14 =	sshll.u32 s13, $0xD;
	s15 =	ssub.s32 $0x2, s13;
	[sflag:s8] =	ssyncadd.s32 $0xFFFFC000  }
0x13: {  	[tilespmem:s11], [sflag:$0x1] =	stream.indirect.gather [hbm4b:s5+s6], $0x80, s10, s6, $0xb8;
	[tilespmem:$0x10200] =	vst v63  }
0x14: {  	s13 =	simm.s32 $0xC200;
	s16 =	sshrl.u32 s15, $0x1;
	_ =	swait.ge [sflag:s8], $0x4000  }
0x15: {  	s14 =	sadd.s32 s14, s12;
	s15 =	ssub.s32 s15, s16;
	[sflag:s8] =	ssyncset.done $0x0  }
0x16: {  	s12 =	simm.s32 $0x180;
	s15 =	smax.u32 s15, $0x1;
	[sflag:s8] =	ssyncadd.s32 $0xFFFFC000  }
0x17: {  	[tilespmem:s13], [sflag:$0x1] =	stream.indirect.gather [hbm4b:s5+s6], $0x80, s12, s6, $0xb8;
	[tilespmem:$0x10200] =	vst v63  }
0x18: {  	s17 =	sshll.u32 s1, $0xE;
	p0 =	sne.s32 s15, $0x1;
	_ =	swait.ge [sflag:s8], $0x4000  }
.Ltmp0:
0x19: {  	s14 =	sadd.s32 s17, s14;
	[sflag:s8] =	ssyncset.done $0x0;
	(pc) =	sbr.rel @!p0 .LBB2_2-.Ltmp0, $4  }
0x1a: {  	s14 =	sadd.s32 $0xC00, s14;
	[sflag:s8] =	ssyncadd.s32 $0xFFFFC000  }
0x1b: {  	[hbm4b:s14+s2] =	stream.linear.scatter [tilespmem:s7], [sflag:$0x2], $0x10000, $0x38;
	[tilespmem:$0x10200] =	vst v63  }
0x1c: {  	_ =	swait.ge [sflag:s3], $0x10000  }
0x1d: {  	s15 =	sadd.s32 $0xFFFFFFFF, s15;
	[sflag:s3] =	ssyncset.done $0x0  }
.LBB2_1:
0x1e: {  	p0 =	sne.s32 s15, $0x1;
	s15 =	sadd.s32 $0xFFFFFFFF, s15;
	[sflag:s3] =	ssyncadd.s32 $0xFFFF0000  }
0x1f: {  	[tilespmem:s2], [sflag:$0x2] =	stream.linear.gather [hbm4b:s4+s2], $0x200, $0x38;
	[tilespmem:$0x10200] =	vst v63  }
0x20: {  	_ =	swait.ge [sflag:s3], $0x200  }
0x21: {  	[sflag:s3] =	ssyncset.done $0x0  }
0x22: {  	[sflag:s3] =	ssyncadd.s32 $0xFFFFFE00  }
0x23: {  	[tilespmem:s7], [sflag:$0x1] =	stream.indirect.gather [hbm4b:s5+s6], $0x80, s2, s6, $0xb8;
	[tilespmem:$0x10200] =	vst v63  }
0x24: {  	_ =	swait.ge [sflag:s8], $0x4000  }
0x25: {  	[sflag:s8] =	ssyncset.done $0x0  }
0x26: {  	[sflag:s8] =	ssyncadd.s32 $0xFFFFC000  }
0x27: {  	[tilespmem:s9], [sflag:$0x1] =	stream.indirect.gather [hbm4b:s5+s6], $0x80, s6, s6, $0xb8;
	[tilespmem:$0x10200] =	vst v63  }
0x28: {  	_ =	swait.ge [sflag:s8], $0x4000  }
0x29: {  	[sflag:s8] =	ssyncset.done $0x0  }
0x2a: {  	[sflag:s8] =	ssyncadd.s32 $0xFFFFC000  }
0x2b: {  	[tilespmem:s11], [sflag:$0x1] =	stream.indirect.gather [hbm4b:s5+s6], $0x80, s10, s6, $0xb8;
	[tilespmem:$0x10200] =	vst v63  }
0x2c: {  	_ =	swait.ge [sflag:s8], $0x4000  }
0x2d: {  	[sflag:s8] =	ssyncset.done $0x0  }
0x2e: {  	[sflag:s8] =	ssyncadd.s32 $0xFFFFC000  }
0x2f: {  	[tilespmem:s13], [sflag:$0x1] =	stream.indirect.gather [hbm4b:s5+s6], $0x80, s12, s6, $0xb8;
	[tilespmem:$0x10200] =	vst v63  }
0x30: {  	_ =	swait.ge [sflag:s8], $0x4000  }
.Ltmp1:
0x31: {  	[sflag:s8] =	ssyncset.done $0x0;
	(pc) =	sbr.rel @p0 .LBB2_1-.Ltmp1, $4  }
0x32: {  	[sflag:s8] =	ssyncadd.s32 $0xFFFFC000  }
0x33: {  	[hbm4b:s14+s2] =	stream.linear.scatter [tilespmem:s7], [sflag:$0x2], $0x10000, $0x38;
	[tilespmem:$0x10200] =	vst v63  }
0x34: {  	_ =	swait.ge [sflag:s3], $0x10000  }
0x35: {  	[sflag:s3] =	ssyncset.done $0x0  }
.LBB2_2:
0x36: {  	[sflag:s3] =	ssyncadd.s32 $0xFFFF0000  }
0x37: {  	_ =	sfence.sel $0x180000  }
0x38: {  	[bflag:$0x0] =	sbarrier.arrive $0xFFFF  }
0x39: {  	p0 =	sne.s32 s1, $0x0;
	_ =	strace $0x9000004A  }
0x3a: {  	s0 =	sadd.s32 @!p0 $0x100000, s0;
	[bflag:$0x2] =	sbarrier.arrive $0xFFFF  }
0x3b: {  	[sflag:s0] =	ssyncadd.tile.s32 @!p0 $0x1;
	_ =	shalt  }
.Lfunc_end2:
_tile_overlayer_lowered:
.L_overlay_start_2:
0x3c: {  	(tag) =	ssettag $0x2  }
0x3d: {  	s0 =	rddreg [dreg:$0x0];
	s2 =	stileid.u32  }
0x3e: {  	s1 =	rddreg [dreg:$0x1];
	p0 =	sne.s32 s2, $0x0  }
0x3f: {  	s3 =	rddreg [dreg:$0x2];
	[bflag:$0x3] =	sbarrier.arrive $0xFFFF;
	s2 =	simm.s32 @!p0 $0x1C02  }
0x40: {  	[timem:s3], [sflag:s2] =	dma.local @!p0 [hbm:s0], s1  }
0x41: {  	s0 =	simm.s32 @!p0 $0x2  }
0x42: {  	_ =	swait.ge @!p0 [sflag:s0], s1  }
0x43: {  	s1 =	ssub.s32 @!p0 $0x0, s1;
	[sflag:s0] =	ssyncset.done @!p0 $0x0  }
0x44: {  	[sflag:s0] =	ssyncadd.s32 @!p0 s1  }
0x45: {  	[bflag:$0x3] =	sbarrier.arrive $0xFFFF  }
0x46: {  	_ =	shalt  }

// kernel: kernel.7.cloned.1.call-start
scs
__scs_entry_jumppad:
0x0: {  	(pc) =	sbr.rel $0x88, $3  }
0x1: {  	(tag) =	ssettag $0x0;
	lr =	simm.s32 $0x1  }
0x2: {  	[smem:$0x3F9F] =	sst lr;
	_ =	strace $0xD0000000  }
0x3: {  	_ = 	snop  }
0x4: {  	_ = 	snop  }
0x5: {  	_ = 	snop  }
0x6: {  	_ = 	snop  }
0x7: {  	_ = 	snop  }
__scs_overlays_trampoline_lowered:
0x8: {  	[smem:$0x3FAE] =	sst s0  }
0x9: {  	[smem:$0x3FAF] =	sst s1  }
0xa: {  	[smem:$0x3FB0] =	sst s2  }
0xb: {  	[smem:$0x3FB1] =	sst s3  }
0xc: {  	[smem:$0x3FB2] =	sst s4  }
0xd: {  	[smem:$0x3FB3] =	sst s5  }
0xe: {  	[smem:$0x3FB4] =	sst s6  }
0xf: {  	[smem:$0x3FB5] =	sst s7  }
0x10: {  	[smem:$0x3FB6] =	sst s8  }
0x11: {  	[smem:$0x3FB7] =	sst s9;
	s0 =	simm.s32 @!p0 $0x0  }
0x12: {  	s1 =	sld [smem:$0x3F9D];
	s0 =	simm.s32 @p0 $0x1  }
0x13: {  	[smem:$0x3FB8] =	sst s0;
	s0 =	simm.s32 @!p1 $0x0  }
0x14: {  	s2 =	sld [smem:$0x3F9C];
	s0 =	simm.s32 @p1 $0x1  }
0x15: {  	[smem:$0x3FB9] =	sst s0;
	s0 =	simm.s32 @!p2 $0x0  }
0x16: {  	s3 =	sld [smem:$0x3FDB];
	s0 =	simm.s32 @p2 $0x1  }
0x17: {  	s4 =	simm.s32 $0x1BF5;
	[smem:$0x3FBB] =	sst s0  }
0x18: {  	s0 =	sld [smem:$0x3F9E];
	_ =	swait.ge [sflag:s4], $0x0  }
0x19: {  	s7 =	sld [smem:$0x3F9F]  }
0x1a: {  	s8 =	sadd.s32 $0xFFFFE003, lr  }
0x1b: {  	s9 =	sadd.s32 $0xFFFFFEF7, lr;
	s5 =	simm.s32 $0xFFFFFFFF;
	p2 =	slt.u32 s8, $0xFFFFF086  }
0x1c: {  	p1 =	slt.u32 s9, $0xF7A;
	s5 =	simm.s32 @!p2 $0x0  }
0x1d: {  	s5 =	simm.s32 @p1 $0x1;
	p0 =	seq.s32 s7, s2  }
0x1e: {  	s7 =	smul.u32 @!p0 $0xF7A, s2;
	p2 =	seq.s32 @!p0 s5, $0x0  }
0x1f: {  	s9 =	smul.u32 $0xF7A, s1;
	s8 =	simm.s32 @!p0 $0x1BF5;
	p2 =	por !p2, p0  }
0x20: {  	[sflag:s8] =	ssyncset.s32 @!p0 $0xFFFFF086;
	s6 =	sadd.s32 @!p0 s3, s7;
	s7 =	simm.s32 @!p0 $0x108  }
0x21: {  	s3 =	sadd.s32 s3, s9;
	s6 =	sadd.s32 @!p0 $0x88, s6;
	s7 =	simm.s32 @p2 $0x1082  }
0x22: {  	[simem:s7], [sflag:s8] =	dma.local @!p0 [hbm:s6], $0xF7A  }
0x23: {  	s9 =	sor.u32 $0xD0000000, s2;
	s6 =	simm.s32 $0x108;
	_ =	swait.ge @!p0 [sflag:s8], $0x0  }
0x24: {  	s3 =	sadd.s32 $0x88, s3;
	s6 =	simm.s32 @!p1 $0x1082;
	[sflag:s4] =	ssyncset.s32 $0xFFFFF086  }
0x25: {  	[simem:s6], [sflag:s4] =	dma.local [hbm:s3], $0xF7A  }
0x26: {  	[smem:$0x3F9F] =	sst s1;
	(tag) =	ssettag s2;
	_ =	strace s9  }
0x27: {  	s1 =	sld [smem:$0x3FAF]  }
0x28: {  	s2 =	sld [smem:$0x3FB0]  }
0x29: {  	s4 =	sld [smem:$0x3FB2]  }
0x2a: {  	p0 =	seq.s32 s5, $0x0;
	s5 =	sld [smem:$0x3FB3]  }
0x2b: {  	s6 =	sld [smem:$0x3FB4]  }
0x2c: {  	s7 =	sld [smem:$0x3FB5]  }
0x2d: {  	s3 =	simm.s32 $0x108;
	s8 =	sld [smem:$0x3FB6]  }
0x2e: {  	s3 =	simm.s32 @!p0 $0x1082;
	s9 =	sld [smem:$0x3FB7]  }
0x2f: {  	lr =	sadd.s32 s0, s3;
	s0 =	sld [smem:$0x3FAE]  }
0x30: {  	s3 =	sld [smem:$0x3FB1]  }
0x31: {  	[smem:$0x3FBA] =	sst s10  }
0x32: {  	s10 =	sld [smem:$0x3FB8];
	_ =	sdelay $0x3  }
0x33: {  	p0 =	seq.s32 s10, $0x1;
	s10 =	sld [smem:$0x3FBA];
	_ =	sdelay $0x3  }
0x34: {  	[smem:$0x3FBA] =	sst s10  }
0x35: {  	s10 =	sld [smem:$0x3FB9];
	_ =	sdelay $0x3  }
0x36: {  	p1 =	seq.s32 s10, $0x1;
	s10 =	sld [smem:$0x3FBA];
	_ =	sdelay $0x3  }
0x37: {  	[smem:$0x3FBA] =	sst s10  }
0x38: {  	s10 =	sld [smem:$0x3FBB]  }
0x39: {  	_ = 	snop;
	(pc) =	sbr.ind lr, $3  }
0x3a: {  	_ = 	snop  }
0x3b: {  	_ = 	snop  }
0x3c: {  	p2 =	seq.s32 s10, $0x1;
	s10 =	sld [smem:$0x3FBA]  }
0x3d: {  	_ =	shalt  }
0x3e: {  	_ =	shalt  }
0x3f: {  	_ =	shalt  }
0x40: {  	_ =	shalt  }
0x41: {  	_ =	shalt  }
0x42: {  	_ =	shalt  }
0x43: {  	_ =	shalt  }
0x44: {  	_ =	shalt  }
0x45: {  	_ =	shalt  }
0x46: {  	_ =	shalt  }
0x47: {  	_ =	shalt  }
0x48: {  	_ =	shalt  }
0x49: {  	_ =	shalt  }
0x4a: {  	_ =	shalt  }
0x4b: {  	_ =	shalt  }
0x4c: {  	_ =	shalt  }
0x4d: {  	_ =	shalt  }
0x4e: {  	_ =	shalt  }
0x4f: {  	_ =	shalt  }
0x50: {  	_ =	shalt  }
0x51: {  	_ =	shalt  }
0x52: {  	_ =	shalt  }
0x53: {  	_ =	shalt  }
0x54: {  	_ =	shalt  }
0x55: {  	_ =	shalt  }
0x56: {  	_ =	shalt  }
0x57: {  	_ =	shalt  }
0x58: {  	_ =	shalt  }
0x59: {  	_ =	shalt  }
0x5a: {  	_ =	shalt  }
0x5b: {  	_ =	shalt  }
0x5c: {  	_ =	shalt  }
0x5d: {  	_ =	shalt  }
0x5e: {  	_ =	shalt  }
0x5f: {  	_ =	shalt  }
0x60: {  	_ =	shalt  }
0x61: {  	_ =	shalt  }
0x62: {  	_ =	shalt  }
0x63: {  	_ =	shalt  }
0x64: {  	_ =	shalt  }
0x65: {  	_ =	shalt  }
0x66: {  	_ =	shalt  }
0x67: {  	_ =	shalt  }
0x68: {  	_ =	shalt  }
0x69: {  	_ =	shalt  }
0x6a: {  	_ =	shalt  }
0x6b: {  	_ =	shalt  }
0x6c: {  	_ =	shalt  }
0x6d: {  	_ =	shalt  }
0x6e: {  	_ =	shalt  }
0x6f: {  	_ =	shalt  }
0x70: {  	_ =	shalt  }
0x71: {  	_ =	shalt  }
0x72: {  	_ =	shalt  }
0x73: {  	_ =	shalt  }
0x74: {  	_ =	shalt  }
0x75: {  	_ =	shalt  }
0x76: {  	_ =	shalt  }
0x77: {  	_ =	shalt  }
0x78: {  	_ =	shalt  }
0x79: {  	_ =	shalt  }
0x7a: {  	_ =	shalt  }
0x7b: {  	_ =	shalt  }
0x7c: {  	_ =	shalt  }
0x7d: {  	_ =	shalt  }
0x7e: {  	_ =	shalt  }
0x7f: {  	_ =	shalt  }
0x80: {  	_ =	shalt  }
0x81: {  	_ =	shalt  }
0x82: {  	_ =	shalt  }
0x83: {  	_ =	shalt  }
0x84: {  	_ =	shalt  }
0x85: {  	_ =	shalt  }
0x86: {  	_ =	shalt  }
0x87: {  	_ =	shalt  }
.Lfunc_end0:
.L_simem_size_0:
called_computation_lowered:
.L_overlay_start_0:
0x88: {  	s2 =	sld [smem:$0x3FD9]  }
0x89: {  	s3 =	sld [smem:$0x3FFE];
	_ =	sdelay $0x1  }
0x8a: {  	s1 =	srdreg.scid  }
0x8b: {  	s0 =	sand.u32 $0x1, s1  }
0x8c: {  	s14 =	sshll.u32 s0, $0xA;
	s2 =	sadd.s32 s3, s2  }
0x8d: {  	s2 =	sadd.s32 s2, s14  }
0x8e: {  	[smem:$0x3FC6] =	sst s2  }
0x8f: {  	_ = 	snop  }
0x90: {  	s2 =	sld [smem:$0x3FD0];
	_ =	sdelay $0x2  }
0x91: {  	s15 =	simm.s32 $0xA;
	s4 =	simm.s32 $0x10  }
0x92: {  	[smem:s4], [sflag:s15] =	dma.local [hbm:s2], $0x1  }
0x93: {  	_ =	swait.eq [sflag:s15], $0x1  }
0x94: {  	[sflag:s15] =	ssyncset.done $0x0  }
0x95: {  	[sflag:s15] =	ssyncadd.s32 $0xFFFFFFFF  }
0x96: {  	s16 =	sld [smem:$0x13];
	(tm) =	ssettm $0x1  }
0x97: {  	s17 =	sld [smem:$0x3FFB];
	_ =	sdelay $0x3  }
0x98: {  	_ =	strace s17  }
0x99: {  	s3 =	sld [smem:$0x3FFC];
	_ =	sdelay $0x3  }
0x9a: {  	_ =	strace s3  }
0x9b: {  	s3 =	sld [smem:$0x3FFD];
	_ =	sdelay $0x3  }
0x9c: {  	_ =	strace s3  }
0x9d: {  	_ =	strace $0x8FFFFFFF  }
0x9e: {  	s18 =	sld [smem:$0x3FDB];
	_ =	sdelay $0x1  }
0x9f: {  	s19 =	simm.s32 $_scs_section_size  }
0xa0: {  	s5 =	simm.s32 $_size__tile_overlayer_lowered;
	s6 =	simm.s32 $_tile_overlayer_lowered  }
0xa1: {  	s22 =	simm.s32 $0x1BFF;
	s21 =	sshll.u32 s6, $0x1;
	s3 =	sadd.s32 s19, s18  }
0xa2: {  	s7 =	simm.s32 $0x0;
	s20 =	sshll.u32 s5, $0x1;
	s5 =	sadd.s32 s21, s3  }
0xa3: {  	[timem:s7], [sflag:s22] =	dma.local [hbm:s5], s20  }
0xa4: {  	_ =	swait.ge [sflag:s22], s20  }
0xa5: {  	s4 =	ssub.s32 $0x0, s20;
	[sflag:s22] =	ssyncset.done $0x0  }
0xa6: {  	[sflag:s22] =	ssyncadd.s32 s4;
	_ =	sdelay $0x1  }
0xa7: {  	s23 =	simm.s32 $0x1B8B  }
0xa8: {  	_ =	swait.ge [sflag:s23], $0x1  }
0xa9: {  	[sflag:s23] =	ssyncset.done $0x0  }
0xaa: {  	s25 =	simm.s32 $0x1B8E;
	s24 =	sld [smem:$0x3FFE];
	[sflag:s23] =	ssyncadd.s32 $0xFFFFFFFF  }
0xab: {  	s26 =	simm.s32 $execute0_lowered;
	[smem:$0x3FD2] =	sst s25  }
0xac: {  	s5 =	sshll.u32 s26, $0x1;
	_ =	strace $0x80000046;
	[dreg:$0x1] =	wrdreg $0xFFFFFFFF  }
0xad: {  	s28 =	simm.s32 $_size_execute0_lowered;
	s3 =	sadd.s32 s3, s5;
	[dreg:$0x0] =	wrdreg $0x0  }
0xae: {  	s5 =	sshll.u32 s28, $0x1;
	[dreg:$0x2] =	wrdreg s3  }
0xaf: {  	[dreg:$0x3] =	wrdreg s5  }
0xb0: {  	[dreg:$0x4] =	wrdreg $0xC0  }
0xb1: {  	_ =	task [dreg:s7], $0x5FFFF  }
0xb2: {  	[dreg:$0x1] =	wrdreg $0xFFFFFFFF  }
0xb3: {  	[dreg:$0x0] =	wrdreg $0x60  }
0xb4: {  	[dreg:$0x2] =	wrdreg s24  }
0xb5: {  	[dreg:$0x3] =	wrdreg s16  }
0xb6: {  	[dreg:$0x4] =	wrdreg $0x9  }
0xb7: {  	_ =	task.clear_ibuf [dreg:s7], $0x5FFFF;
	_ =	strace $0x90000046  }
0xb8: {  	s29 =	simm.s32 $0x9;
	_ =	strace $0x80000048  }
0xb9: {  	_ =	swait.ge [sflag:s29], $0x1  }
0xba: {  	[sflag:s29] =	ssyncadd.s32 $0xFFFFFFFF  }
0xbb: {  	_ =	strace $0x90000048  }
0xbc: {  	_ =	sfence  }
0xbd: {  	s30 =	sld [smem:$0x0];
	_ =	sdelay $0x2  }
0xbe: {  	s31 =	sshll.u32 s1, $0xD;
	s1 =	sshrl.u32 s1, $0x2  }
0xbf: {  	s3 =	sand.u32 $0x4000, s31;
	s1 =	sadd.s32 s1, s30  }
0xc0: {  	s0 =	sor.u32 s3, s0;
	s1 =	sshll.u32 s1, $0x11  }
0xc1: {  	s0 =	sor.u32 s1, s0  }
0xc2: {  	s0 =	sadd.s32 $0x8F2B, s0  }
0xc3: {  	[sflag:s0] =	ssyncadd.remote.s32 $0x1  }
0xc4: {  	_ =	sfence.sel $0xFFFF  }
0xc5: {  	[dreg:$0x0] =	wrdreg $0xFFFFFFFF;
	(pc) =	sbr.abs _section_cstart, $3  }
0xc6: {  	[dreg:$0x1] =	wrdreg $0xFFFFFFFF  }
0xc7: {  	_ =	task.clear_ibuf [dreg:s7], $0x2FFFF;
	_ =	strace $0x9FFFFFFF  }
0xc8: {  	(tm) =	ssettm $0x7FFFFFFF  }
0xc9: {  	_ =	shalt  }
tec
execute0_lowered:
.L_overlay_start_1:
0x0: {  	(tag) =	ssettag $0x1  }
0x1: {  	s12 =	rddreg [dreg:$0x0]  }
0x2: {  	s3 =	rddreg [dreg:$0x1];
	s1 =	srdreg.scid  }
0x3: {  	s0 =	rddreg [dreg:$0x2];
	s13 =	sand.u32 $0x1, s1  }
0x4: {  	s2 =	simm.s32 $0x0;
	s1 =	stileid.u32;
	s4 =	sshll.u32 s13, $0x6  }
0x5: {  	[smem:$0x7FF] =	sst s2;
	s5 =	sshll.u32 s1, $0x7;
	s3 =	sadd.s32 s3, s4  }
0x6: {  	_ =	strace $0x80000047;
	s4 =	sadd.s32 s5, s3;
	s3 =	simm.s32 $0x2  }
0x7: {  	[tilespmem:s2], [sflag:$0x2] =	stream.linear.gather [hbm4b:s4+s2], $0x200, $0x38;
	[tilespmem:$0x10200] =	vst v63  }
0x8: {  	_ =	swait.ge [sflag:s3], $0x200  }
0x9: {  	s6 =	simm.s32 $0x80;
	s7 =	simm.s32 $0x200;
	[sflag:s3] =	ssyncset.done $0x0  }
0xa: {  	s8 =	simm.s32 $0x1;
	s5 =	sadd.s32 $0xF4F600, s12;
	[sflag:s3] =	ssyncadd.s32 $0xFFFFFE00  }
0xb: {  	[tilespmem:s7], [sflag:$0x1] =	stream.indirect.gather [hbm4b:s5+s6], $0x80, s2, s6, $0xb8;
	[tilespmem:$0x10200] =	vst v63  }
0xc: {  	_ =	swait.ge [sflag:s8], $0x4000  }
0xd: {  	[sflag:s8] =	ssyncset.done $0x0  }
0xe: {  	s9 =	simm.s32 $0x4200;
	[sflag:s8] =	ssyncadd.s32 $0xFFFFC000  }
0xf: {  	[tilespmem:s9], [sflag:$0x1] =	stream.indirect.gather [hbm4b:s5+s6], $0x80, s6, s6, $0xb8;
	[tilespmem:$0x10200] =	vst v63  }
0x10: {  	_ =	swait.ge [sflag:s8], $0x4000  }
0x11: {  	s10 =	simm.s32 $0x100;
	s11 =	simm.s32 $0x8200;
	[sflag:s8] =	ssyncset.done $0x0  }
0x12: {  	s14 =	sshll.u32 s13, $0xD;
	s15 =	ssub.s32 $0x2, s13;
	[sflag:s8] =	ssyncadd.s32 $0xFFFFC000  }
0x13: {  	[tilespmem:s11], [sflag:$0x1] =	stream.indirect.gather [hbm4b:s5+s6], $0x80, s10, s6, $0xb8;
	[tilespmem:$0x10200] =	vst v63  }
0x14: {  	s13 =	simm.s32 $0xC200;
	s16 =	sshrl.u32 s15, $0x1;
	_ =	swait.ge [sflag:s8], $0x4000  }
0x15: {  	s14 =	sadd.s32 s14, s12;
	s15 =	ssub.s32 s15, s16;
	[sflag:s8] =	ssyncset.done $0x0  }
0x16: {  	s12 =	simm.s32 $0x180;
	s15 =	smax.u32 s15, $0x1;
	[sflag:s8] =	ssyncadd.s32 $0xFFFFC000  }
0x17: {  	[tilespmem:s13], [sflag:$0x1] =	stream.indirect.gather [hbm4b:s5+s6], $0x80, s12, s6, $0xb8;
	[tilespmem:$0x10200] =	vst v63  }
0x18: {  	s17 =	sshll.u32 s1, $0xE;
	p0 =	sne.s32 s15, $0x1;
	_ =	swait.ge [sflag:s8], $0x4000  }
.Ltmp0:
0x19: {  	s14 =	sadd.s32 s17, s14;
	[sflag:s8] =	ssyncset.done $0x0;
	(pc) =	sbr.rel @!p0 .LBB2_2-.Ltmp0, $4  }
0x1a: {  	s14 =	sadd.s32 $0xC00, s14;
	[sflag:s8] =	ssyncadd.s32 $0xFFFFC000  }
0x1b: {  	[hbm4b:s14+s2] =	stream.linear.scatter [tilespmem:s7], [sflag:$0x2], $0x10000, $0x38;
	[tilespmem:$0x10200] =	vst v63  }
0x1c: {  	_ =	swait.ge [sflag:s3], $0x10000  }
0x1d: {  	s15 =	sadd.s32 $0xFFFFFFFF, s15;
	[sflag:s3] =	ssyncset.done $0x0  }
.LBB2_1:
0x1e: {  	p0 =	sne.s32 s15, $0x1;
	s15 =	sadd.s32 $0xFFFFFFFF, s15;
	[sflag:s3] =	ssyncadd.s32 $0xFFFF0000  }
0x1f: {  	[tilespmem:s2], [sflag:$0x2] =	stream.linear.gather [hbm4b:s4+s2], $0x200, $0x38;
	[tilespmem:$0x10200] =	vst v63  }
0x20: {  	_ =	swait.ge [sflag:s3], $0x200  }
0x21: {  	[sflag:s3] =	ssyncset.done $0x0  }
0x22: {  	[sflag:s3] =	ssyncadd.s32 $0xFFFFFE00  }
0x23: {  	[tilespmem:s7], [sflag:$0x1] =	stream.indirect.gather [hbm4b:s5+s6], $0x80, s2, s6, $0xb8;
	[tilespmem:$0x10200] =	vst v63  }
0x24: {  	_ =	swait.ge [sflag:s8], $0x4000  }
0x25: {  	[sflag:s8] =	ssyncset.done $0x0  }
0x26: {  	[sflag:s8] =	ssyncadd.s32 $0xFFFFC000  }
0x27: {  	[tilespmem:s9], [sflag:$0x1] =	stream.indirect.gather [hbm4b:s5+s6], $0x80, s6, s6, $0xb8;
	[tilespmem:$0x10200] =	vst v63  }
0x28: {  	_ =	swait.ge [sflag:s8], $0x4000  }
0x29: {  	[sflag:s8] =	ssyncset.done $0x0  }
0x2a: {  	[sflag:s8] =	ssyncadd.s32 $0xFFFFC000  }
0x2b: {  	[tilespmem:s11], [sflag:$0x1] =	stream.indirect.gather [hbm4b:s5+s6], $0x80, s10, s6, $0xb8;
	[tilespmem:$0x10200] =	vst v63  }
0x2c: {  	_ =	swait.ge [sflag:s8], $0x4000  }
0x2d: {  	[sflag:s8] =	ssyncset.done $0x0  }
0x2e: {  	[sflag:s8] =	ssyncadd.s32 $0xFFFFC000  }
0x2f: {  	[tilespmem:s13], [sflag:$0x1] =	stream.indirect.gather [hbm4b:s5+s6], $0x80, s12, s6, $0xb8;
	[tilespmem:$0x10200] =	vst v63  }
0x30: {  	_ =	swait.ge [sflag:s8], $0x4000  }
.Ltmp1:
0x31: {  	[sflag:s8] =	ssyncset.done $0x0;
	(pc) =	sbr.rel @p0 .LBB2_1-.Ltmp1, $4  }
0x32: {  	[sflag:s8] =	ssyncadd.s32 $0xFFFFC000  }
0x33: {  	[hbm4b:s14+s2] =	stream.linear.scatter [tilespmem:s7], [sflag:$0x2], $0x10000, $0x38;
	[tilespmem:$0x10200] =	vst v63  }
0x34: {  	_ =	swait.ge [sflag:s3], $0x10000  }
0x35: {  	[sflag:s3] =	ssyncset.done $0x0  }
.LBB2_2:
0x36: {  	[sflag:s3] =	ssyncadd.s32 $0xFFFF0000  }
0x37: {  	_ =	sfence.sel $0x180000  }
0x38: {  	[bflag:$0x0] =	sbarrier.arrive $0xFFFF  }
0x39: {  	p0 =	sne.s32 s1, $0x0;
	_ =	strace $0x90000047  }
0x3a: {  	s0 =	sadd.s32 @!p0 $0x100000, s0;
	[bflag:$0x2] =	sbarrier.arrive $0xFFFF  }
0x3b: {  	[sflag:s0] =	ssyncadd.tile.s32 @!p0 $0x1;
	_ =	shalt  }
.Lfunc_end2:
_tile_overlayer_lowered:
.L_overlay_start_2:
0x3c: {  	(tag) =	ssettag $0x2  }
0x3d: {  	s0 =	rddreg [dreg:$0x0];
	s2 =	stileid.u32  }
0x3e: {  	s1 =	rddreg [dreg:$0x1];
	p0 =	sne.s32 s2, $0x0  }
0x3f: {  	s3 =	rddreg [dreg:$0x2];
	[bflag:$0x3] =	sbarrier.arrive $0xFFFF;
	s2 =	simm.s32 @!p0 $0x1C02  }
0x40: {  	[timem:s3], [sflag:s2] =	dma.local @!p0 [hbm:s0], s1  }
0x41: {  	s0 =	simm.s32 @!p0 $0x2  }
0x42: {  	_ =	swait.ge @!p0 [sflag:s0], s1  }
0x43: {  	s1 =	ssub.s32 @!p0 $0x0, s1;
	[sflag:s0] =	ssyncset.done @!p0 $0x0  }
0x44: {  	[sflag:s0] =	ssyncadd.s32 @!p0 s1  }
0x45: {  	[bflag:$0x3] =	sbarrier.arrive $0xFFFF  }
0x46: {  	_ =	shalt  }

</sc_bundles>
